<compile_context>
chip_gen: v7x
topology: tpu7x:2x2x1
jax: 0.10.2.dev20260603
libtpu: 0.0.44.dev20260713+nightly
codegen_flags: <defaults>
</compile_context>

<pallas_src>
import functools

import jax
import jax.numpy as jnp
import numpy as np
from jax import lax
from jax.experimental import pallas as pl
from jax.experimental.pallas import tpu as pltpu
from jax.experimental.pallas import tpu_sc as plsc

_NC = 2
_NS = 16
_L = 16
_NW = _NC * _NS
_CH = 128
_SB = 8


def _sc_mesh():
    return plsc.VectorSubcoreMesh(
        core_axis_name="c", subcore_axis_name="s",
        num_cores=_NC, num_subcores=_NS)


def _pad_to(x, q):
    return (x + q - 1) // q * q



def _deg_sc(row2d, n_pad):
    tch = row2d.shape[0]
    cpt = tch // _NW
    zn = n_pad // _NS
    assert cpt * _NW == tch and zn % _CH == 0

    @functools.partial(
        pl.kernel,
        out_type=jax.ShapeDtypeStruct((_NC, n_pad), jnp.float32),
        mesh=_sc_mesh(),
        scratch_types=[
            pltpu.VMEM((cpt, _CH), jnp.int32),
            pltpu.VMEM((_CH,), jnp.float32),
            pltpu.VMEM((zn,), jnp.float32),
            pltpu.VMEM_SHARED((n_pad,), jnp.float32),
            pltpu.SemaphoreType.DMA,
        ],
    )
    def deg_kernel(row_hbm, out_hbm, ridx, ones_v, zv, deg_s, sem):
        c = lax.axis_index("c")
        s = lax.axis_index("s")
        w = c * _NS + s
        ones = jnp.ones((_L,), jnp.float32)
        zeros = jnp.zeros((_L,), jnp.float32)

        for q in range(_CH // _L):
            ones_v[pl.ds(q * _L, _L)] = ones

        def zbody(k, carry):
            zv[pl.ds(k * _L, _L)] = zeros
            return carry
        lax.fori_loop(0, zn // _L, zbody, None)
        pltpu.sync_copy(zv, deg_s.at[pl.ds(s * zn, zn)])
        pltpu.sync_copy(row_hbm.at[pl.ds(w * cpt, cpt)], ridx)
        plsc.subcore_barrier()

        def fire(j, carry):
            pltpu.async_copy(ones_v, deg_s.at[ridx.at[j]], sem, add=True)
            return carry
        lax.fori_loop(0, cpt, fire, None)

        def drain(j, carry):
            pltpu.make_async_copy(ones_v, deg_s.at[ridx.at[0]], sem).wait()
            return carry
        lax.fori_loop(0, cpt, drain, None)

        plsc.subcore_barrier()
        pltpu.sync_copy(deg_s.at[pl.ds(s * zn, zn)],
                        out_hbm.at[c].at[pl.ds(s * zn, zn)])

    return deg_kernel(row2d)



def _norm_body(dp_ref, norm_ref):
    s = jnp.sum(dp_ref[...], axis=0, keepdims=True)
    norm_ref[...] = jnp.transpose(lax.rsqrt(jnp.maximum(s, 1.0)))


def _norm_tc(deg_parts):
    nc, n_pad = deg_parts.shape
    return pl.pallas_call(
        _norm_body,
        out_shape=jax.ShapeDtypeStruct((n_pad, 1), jnp.float32),
    )(deg_parts)



def _scale_body(h_ref, n_ref, o_ref):
    o_ref[...] = h_ref[...] * n_ref[...]


def _scale_tc(h, norm_col):
    n, d = h.shape
    bn = 2000
    return pl.pallas_call(
        _scale_body,
        grid=(n // bn,),
        in_specs=[pl.BlockSpec((bn, d), lambda i: (i, 0)),
                  pl.BlockSpec((bn, 1), lambda i: (i, 0))],
        out_specs=pl.BlockSpec((bn, d), lambda i: (i, 0)),
        out_shape=jax.ShapeDtypeStruct((n, d), jnp.float32),
    )(h, norm_col)



def _spmm_sc(hn, col2d, row2d, n_pad):
    n, d = hn.shape
    tch = col2d.shape[0]
    cpt = tch // _NW
    rpt = n_pad // _NS
    zrows = _CH
    assert cpt * _NW == tch and cpt % (2 * _SB) == 0
    assert rpt % zrows == 0 and d % _L == 0
    nsb = cpt // _SB

    @functools.partial(
        pl.kernel,
        out_type=jax.ShapeDtypeStruct((_NC, n_pad, d), jnp.float32),
        mesh=_sc_mesh(),
        scratch_types=[
            pltpu.VMEM((2 * _SB, _CH), jnp.int32),
            pltpu.VMEM((cpt, _CH), jnp.int32),
            pltpu.VMEM_SHARED((n_pad, d), jnp.float32),
            pltpu.VMEM((_CH, d), jnp.float32),
            pltpu.VMEM((_CH, d), jnp.float32),
            pltpu.SemaphoreType.DMA,
            pltpu.SemaphoreType.DMA,
            pltpu.SemaphoreType.DMA,
            pltpu.SemaphoreType.DMA,
        ],
    )
    def spmm_kernel(hn_hbm, col_hbm, row_hbm, out_hbm,
                    cidx, ridx, agg_s, gbuf0, gbuf1,
                    gsem0, gsem1, ssem0, ssem1):
        gbuf = (gbuf0, gbuf1)
        gsem = (gsem0, gsem1)
        ssem = (ssem0, ssem1)
        c = lax.axis_index("c")
        s = lax.axis_index("s")
        w = c * _NS + s
        tb = w * cpt
        zeros = jnp.zeros((_L,), jnp.float32)

        def zrow(r, carry):
            for b in range(2):
                for q in range(d // _L):
                    gbuf[b][r, pl.ds(q * _L, _L)] = zeros
            return carry
        lax.fori_loop(0, zrows, zrow, None)

        for k in range(rpt // zrows):
            pltpu.sync_copy(gbuf[k % 2],
                            agg_s.at[pl.ds(s * rpt + k * zrows, zrows)])
        pltpu.sync_copy(row_hbm.at[pl.ds(tb, cpt)], ridx)
        pltpu.sync_copy(col_hbm.at[pl.ds(tb, _SB)], cidx.at[pl.ds(0, _SB)])
        plsc.subcore_barrier()

        def cslot(q):
            return ((q // _SB) % 2) * _SB + (q % _SB)

        def gather(q, b):
            pltpu.async_copy(hn_hbm.at[cidx.at[cslot(q)]], gbuf[b], gsem[b])

        def gather_wait(q, b):
            pltpu.make_async_copy(hn_hbm.at[cidx.at[cslot(q)]], gbuf[b],
                                  gsem[b]).wait()

        def scatter(q, b):
            pltpu.async_copy(gbuf[b], agg_s.at[ridx.at[q]], ssem[b], add=True)

        def scatter_wait(q, b):
            pltpu.make_async_copy(gbuf[b], agg_s.at[ridx.at[q]],
                                  ssem[b]).wait()

        gather(0, 0)

        def body(k, carry):
            for b in range(2):
                q = 2 * k + b

                if b == 0:
                    sb = q // _SB

                    @pl.when((q % _SB == 0) & (sb + 1 < nsb))
                    def _():
                        dst = ((sb + 1) % 2) * _SB
                        pltpu.sync_copy(
                            col_hbm.at[pl.ds(tb + (sb + 1) * _SB, _SB)],
                            cidx.at[pl.ds(dst, _SB)])

                @pl.when(q >= 1)
                def _():
                    scatter_wait(q - 1, 1 - b)

                @pl.when(q + 1 < cpt)
                def _():
                    gather(q + 1, 1 - b)

                gather_wait(q, b)
                scatter(q, b)
            return carry
        lax.fori_loop(0, cpt // 2, body, None)
        scatter_wait(cpt - 1, (cpt - 1) % 2)

        plsc.subcore_barrier()
        pltpu.sync_copy(agg_s.at[pl.ds(s * rpt, rpt)],
                        out_hbm.at[c].at[pl.ds(s * rpt, rpt)])

    return spmm_kernel(hn, col2d, row2d)



def _final_body(a_ref, n_ref, w_ref, o_ref):
    a = a_ref[0] + a_ref[1]
    sc = a * n_ref[...]
    o_ref[...] = lax.dot_general(
        sc, w_ref[...], (((1,), (1,)), ((), ())),
        preferred_element_type=jnp.float32)


def _final_tc(agg2, norm_col, W, n):
    _, n_pad, d = agg2.shape
    bn = 2000
    assert n % bn == 0
    return pl.pallas_call(
        _final_body,
        grid=(n // bn,),
        in_specs=[pl.BlockSpec((2, bn, d), lambda i: (0, i, 0)),
                  pl.BlockSpec((bn, 1), lambda i: (i, 0)),
                  pl.BlockSpec((d, d), lambda i: (0, 0))],
        out_specs=pl.BlockSpec((bn, d), lambda i: (i, 0)),
        out_shape=jax.ShapeDtypeStruct((n, d), jnp.float32),
    )(agg2, norm_col, W)



def kernel(edge_index, h, W):
    n, d = h.shape
    n_pad = _pad_to(n, _NS * _CH)
    e = edge_index.shape[1]
    e_pad = _pad_to(e, _NW * _SB * _CH)
    row = edge_index[0]
    col = edge_index[1]
    pad = e_pad - e
    sink = jnp.asarray(n + np.arange(pad) % (n_pad - n), jnp.int32)
    csink = jnp.asarray((np.arange(pad) * 79) % n, jnp.int32)
    row_p = jnp.concatenate([row, sink]).reshape(-1, _CH)
    col_p = jnp.concatenate([col, csink]).reshape(-1, _CH)
    deg_parts = _deg_sc(row_p, n_pad)
    norm_col = _norm_tc(deg_parts)
    hn = _scale_tc(h, norm_col[:n])
    agg2 = _spmm_sc(hn, col_p, row_p, n_pad)
    return _final_tc(agg2, norm_col, W, n)

# --- scband reference (transcript-rebuilt; emitter-appended) ---
"""Pipeline reference for scband-gcn-8160437862602 (READ-ONLY COPY).

The authoritative reference and input builder live on the scoring server;
editing this copy changes nothing except your own understanding.
"""

import jax, jax.numpy as jnp
import numpy as np

N = 10000
E = 320000
D = 128


def setup_inputs(seed: int = 0) -> dict:
    key = jax.random.key(seed)
    k1, k2, k3 = jax.random.split(key, 3)
    # edge_index[0] = row (destination of aggregation, since out = a @ h sums over columns per row)
    # edge_index[1] = col (source node whose features are gathered)
    edge_index = jax.random.randint(k1, (2, E), 0, N, dtype=jnp.int32)
    h = jax.random.normal(k2, (N, D), dtype=jnp.float32)
    # Linear weight W: [out_features, in_features], xavier_uniform init, no bias
    limit = float(np.sqrt(6.0 / (D + D)))
    W = jax.random.uniform(k3, (D, D), dtype=jnp.float32, minval=-limit, maxval=limit)
    return {"edge_index": edge_index, "h": h, "W": W}


def reference(edge_index, h, W):
    # Sparse adjacency a has value 1.0 at (row, col) = (edge_index[0], edge_index[1]).
    row = edge_index[0]
    col = edge_index[1]
    n = h.shape[0]
    # d = a.sum(dim=-1) = per-row degree; clamp(min=1)
    deg = jnp.zeros((n,), dtype=jnp.float32).at[row].add(1.0)
    deg = jnp.clip(deg, 1.0, None)
    norm = (deg ** -0.5)[:, None]
    # h = h * norm
    hn = h * norm
    # h = fc(h)  (Linear without bias: h @ W^T)
    hw = hn @ W.T
    # h = a @ h  : out[i] = sum over edges (i, j) of hw[j]  -> gather from col, scatter-add to row
    msg = jnp.take(hw, col, axis=0)
    agg = jnp.zeros_like(hw).at[row].add(msg)
    # h = h * norm ; activation is None
    out = agg * norm
    return out

if __name__ == "__main__":
    import jax
    _d = setup_inputs()
    print(jax.jit(kernel)(*tuple(_d.values())))

</pallas_src>

<mosaic_0001>
#map = affine_map<(d0, d1) -> (0, 0)>
module attributes {stable_mosaic.version = 14 : i64} {
  func.func @deg_kernel(%arg0: i32, %arg1: i32, %arg2: memref<2560x128xi32, #tpu.memory_space<hbm>>, %arg3: memref<2x10240xf32, #tpu.memory_space<hbm>>, %arg4: memref<80x128xi32, #tpu.memory_space<vmem>>, %arg5: memref<128xf32, #tpu.memory_space<vmem>>, %arg6: memref<640xf32, #tpu.memory_space<vmem>>, %arg7: memref<10240xf32, #tpu.memory_space<vmem_shared>>, %arg8: memref<!tpu.dma_semaphore, #tpu.memory_space<semaphore_mem>>) attributes {dimension_semantics = [#tpu.dimension_semantics<core_parallel>, #tpu.dimension_semantics<subcore_parallel>], iteration_bounds = array<i64: 2, 16>, scalar_prefetch = 0 : i64, scratch_operands = 5 : i64, tpu.core_type = #tpu.core_type<sc_vector_subcore>, window_params = [{transform_indices = #map}, {transform_indices = #map}]} {
    %mul3A = arith.constant 16 : i32
    %mul3A_0 = arith.muli %arg0, %mul3A : i32
    %add3A = arith.addi %mul3A_0, %arg1 : i32
    %broadcast_in_dim3A = arith.constant 1.000000e+00 : f32
    %broadcast_in_dim3A_1 = vector.broadcast %broadcast_in_dim3A : f32 to vector<16xf32>
    %broadcast_in_dim3A_2 = arith.constant 0.000000e+00 : f32
    %broadcast_in_dim3A_3 = vector.broadcast %broadcast_in_dim3A_2 : f32 to vector<16xf32>
    %swap3A = arith.constant 0 : index
    %swap3A_4 = tpu.vector_load %arg5[%swap3A] {strides = array<i32>} : memref<128xf32, #tpu.memory_space<vmem>>, vector<16xf32>,
    %swap3A_5 = vector.shape_cast %swap3A_4 : vector<16xf32> to vector<16xf32>
    %swap3A_6 = vector.shape_cast %broadcast_in_dim3A_1 : vector<16xf32> to vector<16xf32>
    tpu.vector_store %arg5[%swap3A], %swap3A_6 {strides = array<i32>} : memref<128xf32, #tpu.memory_space<vmem>>, vector<16xf32>,
    %swap3A_7 = arith.constant 16 : index
    %swap3A_8 = tpu.vector_load %arg5[%swap3A_7] {strides = array<i32>} : memref<128xf32, #tpu.memory_space<vmem>>, vector<16xf32>,
    %swap3A_9 = vector.shape_cast %swap3A_8 : vector<16xf32> to vector<16xf32>
    %swap3A_10 = vector.shape_cast %broadcast_in_dim3A_1 : vector<16xf32> to vector<16xf32>
    tpu.vector_store %arg5[%swap3A_7], %swap3A_10 {strides = array<i32>} : memref<128xf32, #tpu.memory_space<vmem>>, vector<16xf32>,
    %swap3A_11 = arith.constant 32 : index
    %swap3A_12 = tpu.vector_load %arg5[%swap3A_11] {strides = array<i32>} : memref<128xf32, #tpu.memory_space<vmem>>, vector<16xf32>,
    %swap3A_13 = vector.shape_cast %swap3A_12 : vector<16xf32> to vector<16xf32>
    %swap3A_14 = vector.shape_cast %broadcast_in_dim3A_1 : vector<16xf32> to vector<16xf32>
    tpu.vector_store %arg5[%swap3A_11], %swap3A_14 {strides = array<i32>} : memref<128xf32, #tpu.memory_space<vmem>>, vector<16xf32>,
    %swap3A_15 = arith.constant 48 : index
    %swap3A_16 = tpu.vector_load %arg5[%swap3A_15] {strides = array<i32>} : memref<128xf32, #tpu.memory_space<vmem>>, vector<16xf32>,
    %swap3A_17 = vector.shape_cast %swap3A_16 : vector<16xf32> to vector<16xf32>
    %swap3A_18 = vector.shape_cast %broadcast_in_dim3A_1 : vector<16xf32> to vector<16xf32>
    tpu.vector_store %arg5[%swap3A_15], %swap3A_18 {strides = array<i32>} : memref<128xf32, #tpu.memory_space<vmem>>, vector<16xf32>,
    %swap3A_19 = arith.constant 64 : index
    %swap3A_20 = tpu.vector_load %arg5[%swap3A_19] {strides = array<i32>} : memref<128xf32, #tpu.memory_space<vmem>>, vector<16xf32>,
    %swap3A_21 = vector.shape_cast %swap3A_20 : vector<16xf32> to vector<16xf32>
    %swap3A_22 = vector.shape_cast %broadcast_in_dim3A_1 : vector<16xf32> to vector<16xf32>
    tpu.vector_store %arg5[%swap3A_19], %swap3A_22 {strides = array<i32>} : memref<128xf32, #tpu.memory_space<vmem>>, vector<16xf32>,
    %swap3A_23 = arith.constant 80 : index
    %swap3A_24 = tpu.vector_load %arg5[%swap3A_23] {strides = array<i32>} : memref<128xf32, #tpu.memory_space<vmem>>, vector<16xf32>,
    %swap3A_25 = vector.shape_cast %swap3A_24 : vector<16xf32> to vector<16xf32>
    %swap3A_26 = vector.shape_cast %broadcast_in_dim3A_1 : vector<16xf32> to vector<16xf32>
    tpu.vector_store %arg5[%swap3A_23], %swap3A_26 {strides = array<i32>} : memref<128xf32, #tpu.memory_space<vmem>>, vector<16xf32>,
    %swap3A_27 = arith.constant 96 : index
    %swap3A_28 = tpu.vector_load %arg5[%swap3A_27] {strides = array<i32>} : memref<128xf32, #tpu.memory_space<vmem>>, vector<16xf32>,
    %swap3A_29 = vector.shape_cast %swap3A_28 : vector<16xf32> to vector<16xf32>
    %swap3A_30 = vector.shape_cast %broadcast_in_dim3A_1 : vector<16xf32> to vector<16xf32>
    tpu.vector_store %arg5[%swap3A_27], %swap3A_30 {strides = array<i32>} : memref<128xf32, #tpu.memory_space<vmem>>, vector<16xf32>,
    %swap3A_31 = arith.constant 112 : index
    %swap3A_32 = tpu.vector_load %arg5[%swap3A_31] {strides = array<i32>} : memref<128xf32, #tpu.memory_space<vmem>>, vector<16xf32>,
    %swap3A_33 = vector.shape_cast %swap3A_32 : vector<16xf32> to vector<16xf32>
    %swap3A_34 = vector.shape_cast %broadcast_in_dim3A_1 : vector<16xf32> to vector<16xf32>
    tpu.vector_store %arg5[%swap3A_31], %swap3A_34 {strides = array<i32>} : memref<128xf32, #tpu.memory_space<vmem>>, vector<16xf32>,
    %scan3A = arith.constant 0 : i32
    %scan3A_35 = arith.constant 40 : i32
    %scan3A_36 = arith.addi %scan3A, %scan3A_35 : i32
    %scan3A_37 = arith.constant 1 : i32
    scf.for %scan3A_58 = %scan3A to %scan3A_36 step %scan3A_37  : i32 {
      %mul3A_59 = arith.constant 16 : i32
      %mul3A_60 = arith.muli %scan3A_58, %mul3A_59 : i32
      %swap3A_61 = arith.index_cast %mul3A_60 : i32 to index
      %swap3A_62 = tpu.vector_load %arg6[%swap3A_61] {strides = array<i32>} : memref<640xf32, #tpu.memory_space<vmem>>, vector<16xf32>,
      %swap3A_63 = vector.shape_cast %swap3A_62 : vector<16xf32> to vector<16xf32>
      %swap3A_64 = vector.shape_cast %broadcast_in_dim3A_3 : vector<16xf32> to vector<16xf32>
      tpu.vector_store %arg6[%swap3A_61], %swap3A_64 {strides = array<i32>} : memref<640xf32, #tpu.memory_space<vmem>>, vector<16xf32>,
    }
    %scan3A_38 = arith.constant 40 : i32
    %mul3A_39 = arith.constant 640 : i32
    %mul3A_40 = arith.muli %arg1, %mul3A_39 : i32
    "tpu.region"() ({
      %run_scoped3A = tpu.sem_alloc : memref<!tpu.dma_semaphore, #tpu.memory_space<semaphore_mem>>
      %dma_start3A = tpu.memref_slice %arg7[%mul3A_40] : memref<10240xf32, #tpu.memory_space<vmem_shared>> -> memref<640xf32, #tpu.memory_space<vmem_shared>>
      %dma_start3A_58 = tpu.memref_slice %arg7[%mul3A_40] : memref<10240xf32, #tpu.memory_space<vmem_shared>> -> memref<640xf32, #tpu.memory_space<vmem_shared>>
      tpu.enqueue_dma source(%arg6 : memref<640xf32, #tpu.memory_space<vmem>>) target(%dma_start3A_58 : memref<640xf32, #tpu.memory_space<vmem_shared>>) target_semaphore(%run_scoped3A : memref<!tpu.dma_semaphore, #tpu.memory_space<semaphore_mem>>)
      %dma_wait3A = tpu.memref_slice %arg7[%mul3A_40] : memref<10240xf32, #tpu.memory_space<vmem_shared>> -> memref<640xf32, #tpu.memory_space<vmem_shared>>
      %dma_wait3A_59 = tpu.memref_slice %arg7[%mul3A_40] : memref<10240xf32, #tpu.memory_space<vmem_shared>> -> memref<640xf32, #tpu.memory_space<vmem_shared>>
      tpu.wait_dma2 semaphore(%run_scoped3A : memref<!tpu.dma_semaphore, #tpu.memory_space<semaphore_mem>>) src(%arg6 : memref<640xf32, #tpu.memory_space<vmem>>) dst(%dma_wait3A_59 : memref<640xf32, #tpu.memory_space<vmem_shared>>)
      tpu.yield
    }) : () -> ()
    %mul3A_41 = arith.constant 80 : i32
    %mul3A_42 = arith.muli %add3A, %mul3A_41 : i32
    "tpu.region"() ({
      %run_scoped3A = tpu.sem_alloc : memref<!tpu.dma_semaphore, #tpu.memory_space<semaphore_mem>>
      %dma_start3A = arith.constant 0 : i32
      %dma_start3A_58 = tpu.memref_slice %arg2[%mul3A_42, %dma_start3A] : memref<2560x128xi32, #tpu.memory_space<hbm>> -> memref<80x128xi32, #tpu.memory_space<hbm>>
      %dma_start3A_59 = arith.constant 0 : i32
      %dma_start3A_60 = tpu.memref_slice %arg2[%mul3A_42, %dma_start3A_59] : memref<2560x128xi32, #tpu.memory_space<hbm>> -> memref<80x128xi32, #tpu.memory_space<hbm>>
      tpu.enqueue_dma source(%dma_start3A_60 : memref<80x128xi32, #tpu.memory_space<hbm>>) target(%arg4 : memref<80x128xi32, #tpu.memory_space<vmem>>) target_semaphore(%run_scoped3A : memref<!tpu.dma_semaphore, #tpu.memory_space<semaphore_mem>>)
      %dma_wait3A = arith.constant 0 : i32
      %dma_wait3A_61 = tpu.memref_slice %arg2[%mul3A_42, %dma_wait3A] : memref<2560x128xi32, #tpu.memory_space<hbm>> -> memref<80x128xi32, #tpu.memory_space<hbm>>
      %dma_wait3A_62 = arith.constant 0 : i32
      %dma_wait3A_63 = tpu.memref_slice %arg2[%mul3A_42, %dma_wait3A_62] : memref<2560x128xi32, #tpu.memory_space<hbm>> -> memref<80x128xi32, #tpu.memory_space<hbm>>
      tpu.wait_dma2 semaphore(%run_scoped3A : memref<!tpu.dma_semaphore, #tpu.memory_space<semaphore_mem>>) src(%dma_wait3A_63 : memref<80x128xi32, #tpu.memory_space<hbm>>) dst(%arg4 : memref<80x128xi32, #tpu.memory_space<vmem>>)
      tpu.yield
    }) : () -> ()
    %barrier3A = arith.constant 0 : index
    tpu.barrier barrier_id(%barrier3A)
    %scan3A_43 = arith.constant 0 : i32
    %scan3A_44 = arith.constant 80 : i32
    %scan3A_45 = arith.addi %scan3A_43, %scan3A_44 : i32
    %scan3A_46 = arith.constant 1 : i32
    scf.for %scan3A_58 = %scan3A_43 to %scan3A_45 step %scan3A_46  : i32 {
      %dma_start3A = arith.constant 0 : i32
      %dma_start3A_59 = tpu.memref_slice %arg4[%scan3A_58, %dma_start3A] : memref<80x128xi32, #tpu.memory_space<vmem>> -> memref<1x128xi32, #tpu.memory_space<vmem>>
      %dma_start3A_60 = tpu.memref_squeeze %dma_start3A_59 : memref<1x128xi32, #tpu.memory_space<vmem>> -> memref<128xi32, #tpu.memory_space<vmem>>
      %dma_start3A_61 = arith.constant 0 : i32
      %dma_start3A_62 = tpu.memref_slice %arg7[%dma_start3A_61] : memref<10240xf32, #tpu.memory_space<vmem_shared>> -> memref<10240xf32, #tpu.memory_space<vmem_shared>>
      tpu.enqueue_indirect_dma source(%arg5 : memref<128xf32, #tpu.memory_space<vmem>>) target(%dma_start3A_62 : memref<10240xf32, #tpu.memory_space<vmem_shared>>) offsets(%dma_start3A_60 : memref<128xi32, #tpu.memory_space<vmem>>) semaphore(%arg8 : memref<!tpu.dma_semaphore, #tpu.memory_space<semaphore_mem>>) {add = true}
    }
    %scan3A_47 = arith.constant 80 : i32
    %scan3A_48 = arith.constant 0 : i32
    %scan3A_49 = arith.constant 80 : i32
    %scan3A_50 = arith.addi %scan3A_48, %scan3A_49 : i32
    %scan3A_51 = arith.constant 1 : i32
    scf.for %scan3A_58 = %scan3A_48 to %scan3A_50 step %scan3A_51  : i32 {
      %dma_wait3A = arith.constant 0 : i32
      %dma_wait3A_59 = arith.constant 0 : i32
      %dma_wait3A_60 = tpu.memref_slice %arg4[%dma_wait3A, %dma_wait3A_59] : memref<80x128xi32, #tpu.memory_space<vmem>> -> memref<1x128xi32, #tpu.memory_space<vmem>>
      %dma_wait3A_61 = tpu.memref_squeeze %dma_wait3A_60 : memref<1x128xi32, #tpu.memory_space<vmem>> -> memref<128xi32, #tpu.memory_space<vmem>>
      %dma_wait3A_62 = arith.constant 0 : i32
      %dma_wait3A_63 = tpu.memref_slice %arg7[%dma_wait3A_62] : memref<10240xf32, #tpu.memory_space<vmem_shared>> -> memref<10240xf32, #tpu.memory_space<vmem_shared>>
      tpu.wait_indirect_dma semaphore(%arg8 : memref<!tpu.dma_semaphore, #tpu.memory_space<semaphore_mem>>) src(%arg5 : memref<128xf32, #tpu.memory_space<vmem>>) dst(%dma_wait3A_63 : memref<10240xf32, #tpu.memory_space<vmem_shared>>)
    }
    %scan3A_52 = arith.constant 80 : i32
    %barrier3A_53 = arith.constant 0 : index
    tpu.barrier barrier_id(%barrier3A_53)
    %mul3A_54 = arith.constant 640 : i32
    %mul3A_55 = arith.muli %arg1, %mul3A_54 : i32
    %mul3A_56 = arith.constant 640 : i32
    %mul3A_57 = arith.muli %arg1, %mul3A_56 : i32
    "tpu.region"() ({
      %run_scoped3A = tpu.sem_alloc : memref<!tpu.dma_semaphore, #tpu.memory_space<semaphore_mem>>
      %dma_start3A = arith.constant 0 : i32
      %dma_start3A_58 = tpu.memref_slice %arg3[%arg0, %dma_start3A] : memref<2x10240xf32, #tpu.memory_space<hbm>> -> memref<1x10240xf32, #tpu.memory_space<hbm>>
      %dma_start3A_59 = tpu.memref_squeeze %dma_start3A_58 : memref<1x10240xf32, #tpu.memory_space<hbm>> -> memref<10240xf32, #tpu.memory_space<hbm>>
      %dma_start3A_60 = tpu.memref_slice %dma_start3A_59[%mul3A_57] : memref<10240xf32, #tpu.memory_space<hbm>> -> memref<640xf32, #tpu.memory_space<hbm>>
      %dma_start3A_61 = tpu.memref_slice %arg7[%mul3A_55] : memref<10240xf32, #tpu.memory_space<vmem_shared>> -> memref<640xf32, #tpu.memory_space<vmem_shared>>
      tpu.enqueue_dma source(%dma_start3A_61 : memref<640xf32, #tpu.memory_space<vmem_shared>>) target(%dma_start3A_60 : memref<640xf32, #tpu.memory_space<hbm>>) target_semaphore(%run_scoped3A : memref<!tpu.dma_semaphore, #tpu.memory_space<semaphore_mem>>)
      %dma_wait3A = arith.constant 0 : i32
      %dma_wait3A_62 = tpu.memref_slice %arg3[%arg0, %dma_wait3A] : memref<2x10240xf32, #tpu.memory_space<hbm>> -> memref<1x10240xf32, #tpu.memory_space<hbm>>
      %dma_wait3A_63 = tpu.memref_squeeze %dma_wait3A_62 : memref<1x10240xf32, #tpu.memory_space<hbm>> -> memref<10240xf32, #tpu.memory_space<hbm>>
      %dma_wait3A_64 = tpu.memref_slice %dma_wait3A_63[%mul3A_57] : memref<10240xf32, #tpu.memory_space<hbm>> -> memref<640xf32, #tpu.memory_space<hbm>>
      %dma_wait3A_65 = tpu.memref_slice %arg7[%mul3A_55] : memref<10240xf32, #tpu.memory_space<vmem_shared>> -> memref<640xf32, #tpu.memory_space<vmem_shared>>
      tpu.wait_dma2 semaphore(%run_scoped3A : memref<!tpu.dma_semaphore, #tpu.memory_space<semaphore_mem>>) src(%dma_wait3A_65 : memref<640xf32, #tpu.memory_space<vmem_shared>>) dst(%dma_wait3A_64 : memref<640xf32, #tpu.memory_space<hbm>>)
      tpu.yield
    }) : () -> ()
    return
  }
}

#map = affine_map<(d0, d1) -> (0, 0)>
#map1 = affine_map<(d0, d1) -> (0, 0, 0)>
module attributes {stable_mosaic.version = 14 : i64} {
  func.func @spmm_kernel(%arg0: i32, %arg1: i32, %arg2: memref<10000x128xf32, #tpu.memory_space<hbm>>, %arg3: memref<2560x128xi32, #tpu.memory_space<hbm>>, %arg4: memref<2560x128xi32, #tpu.memory_space<hbm>>, %arg5: memref<2x10240x128xf32, #tpu.memory_space<hbm>>, %arg6: memref<16x128xi32, #tpu.memory_space<vmem>>, %arg7: memref<80x128xi32, #tpu.memory_space<vmem>>, %arg8: memref<10240x128xf32, #tpu.memory_space<vmem_shared>>, %arg9: memref<128x128xf32, #tpu.memory_space<vmem>>, %arg10: memref<128x128xf32, #tpu.memory_space<vmem>>, %arg11: memref<!tpu.dma_semaphore, #tpu.memory_space<semaphore_mem>>, %arg12: memref<!tpu.dma_semaphore, #tpu.memory_space<semaphore_mem>>, %arg13: memref<!tpu.dma_semaphore, #tpu.memory_space<semaphore_mem>>, %arg14: memref<!tpu.dma_semaphore, #tpu.memory_space<semaphore_mem>>) attributes {dimension_semantics = [#tpu.dimension_semantics<core_parallel>, #tpu.dimension_semantics<subcore_parallel>], iteration_bounds = array<i64: 2, 16>, scalar_prefetch = 0 : i64, scratch_operands = 9 : i64, tpu.core_type = #tpu.core_type<sc_vector_subcore>, window_params = [{transform_indices = #map}, {transform_indices = #map}, {transform_indices = #map}, {transform_indices = #map1}]} {
    %mul3A = arith.constant 16 : i32
    %mul3A_0 = arith.muli %arg0, %mul3A : i32
    %add3A = arith.addi %mul3A_0, %arg1 : i32
    %mul3A_1 = arith.constant 80 : i32
    %mul3A_2 = arith.muli %add3A, %mul3A_1 : i32
    %broadcast_in_dim3A = arith.constant 0.000000e+00 : f32
    %broadcast_in_dim3A_3 = vector.broadcast %broadcast_in_dim3A : f32 to vector<16xf32>
    %scan3A = arith.constant 0 : i32
    %scan3A_4 = arith.constant 128 : i32
    %scan3A_5 = arith.addi %scan3A, %scan3A_4 : i32
    %scan3A_6 = arith.constant 1 : i32
    scf.for %scan3A_50 = %scan3A to %scan3A_5 step %scan3A_6  : i32 {
      %swap3A = arith.index_cast %scan3A_50 : i32 to index
      %swap3A_51 = arith.constant 0 : index
      %swap3A_52 = tpu.vector_load %arg9[%swap3A, %swap3A_51] {strides = array<i32>} : memref<128x128xf32, #tpu.memory_space<vmem>>, vector<1x16xf32>,
      %swap3A_53 = vector.shape_cast %swap3A_52 : vector<1x16xf32> to vector<16xf32>
      %swap3A_54 = vector.shape_cast %broadcast_in_dim3A_3 : vector<16xf32> to vector<1x16xf32>
      tpu.vector_store %arg9[%swap3A, %swap3A_51], %swap3A_54 {strides = array<i32>} : memref<128x128xf32, #tpu.memory_space<vmem>>, vector<1x16xf32>,
      %swap3A_55 = arith.index_cast %scan3A_50 : i32 to index
      %swap3A_56 = arith.constant 16 : index
      %swap3A_57 = tpu.vector_load %arg9[%swap3A_55, %swap3A_56] {strides = array<i32>} : memref<128x128xf32, #tpu.memory_space<vmem>>, vector<1x16xf32>,
      %swap3A_58 = vector.shape_cast %swap3A_57 : vector<1x16xf32> to vector<16xf32>
      %swap3A_59 = vector.shape_cast %broadcast_in_dim3A_3 : vector<16xf32> to vector<1x16xf32>
      tpu.vector_store %arg9[%swap3A_55, %swap3A_56], %swap3A_59 {strides = array<i32>} : memref<128x128xf32, #tpu.memory_space<vmem>>, vector<1x16xf32>,
      %swap3A_60 = arith.index_cast %scan3A_50 : i32 to index
      %swap3A_61 = arith.constant 32 : index
      %swap3A_62 = tpu.vector_load %arg9[%swap3A_60, %swap3A_61] {strides = array<i32>} : memref<128x128xf32, #tpu.memory_space<vmem>>, vector<1x16xf32>,
      %swap3A_63 = vector.shape_cast %swap3A_62 : vector<1x16xf32> to vector<16xf32>
      %swap3A_64 = vector.shape_cast %broadcast_in_dim3A_3 : vector<16xf32> to vector<1x16xf32>
      tpu.vector_store %arg9[%swap3A_60, %swap3A_61], %swap3A_64 {strides = array<i32>} : memref<128x128xf32, #tpu.memory_space<vmem>>, vector<1x16xf32>,
      %swap3A_65 = arith.index_cast %scan3A_50 : i32 to index
      %swap3A_66 = arith.constant 48 : index
      %swap3A_67 = tpu.vector_load %arg9[%swap3A_65, %swap3A_66] {strides = array<i32>} : memref<128x128xf32, #tpu.memory_space<vmem>>, vector<1x16xf32>,
      %swap3A_68 = vector.shape_cast %swap3A_67 : vector<1x16xf32> to vector<16xf32>
      %swap3A_69 = vector.shape_cast %broadcast_in_dim3A_3 : vector<16xf32> to vector<1x16xf32>
      tpu.vector_store %arg9[%swap3A_65, %swap3A_66], %swap3A_69 {strides = array<i32>} : memref<128x128xf32, #tpu.memory_space<vmem>>, vector<1x16xf32>,
      %swap3A_70 = arith.index_cast %scan3A_50 : i32 to index
      %swap3A_71 = arith.constant 64 : index
      %swap3A_72 = tpu.vector_load %arg9[%swap3A_70, %swap3A_71] {strides = array<i32>} : memref<128x128xf32, #tpu.memory_space<vmem>>, vector<1x16xf32>,
      %swap3A_73 = vector.shape_cast %swap3A_72 : vector<1x16xf32> to vector<16xf32>
      %swap3A_74 = vector.shape_cast %broadcast_in_dim3A_3 : vector<16xf32> to vector<1x16xf32>
      tpu.vector_store %arg9[%swap3A_70, %swap3A_71], %swap3A_74 {strides = array<i32>} : memref<128x128xf32, #tpu.memory_space<vmem>>, vector<1x16xf32>,
      %swap3A_75 = arith.index_cast %scan3A_50 : i32 to index
      %swap3A_76 = arith.constant 80 : index
      %swap3A_77 = tpu.vector_load %arg9[%swap3A_75, %swap3A_76] {strides = array<i32>} : memref<128x128xf32, #tpu.memory_space<vmem>>, vector<1x16xf32>,
      %swap3A_78 = vector.shape_cast %swap3A_77 : vector<1x16xf32> to vector<16xf32>
      %swap3A_79 = vector.shape_cast %broadcast_in_dim3A_3 : vector<16xf32> to vector<1x16xf32>
      tpu.vector_store %arg9[%swap3A_75, %swap3A_76], %swap3A_79 {strides = array<i32>} : memref<128x128xf32, #tpu.memory_space<vmem>>, vector<1x16xf32>,
      %swap3A_80 = arith.index_cast %scan3A_50 : i32 to index
      %swap3A_81 = arith.constant 96 : index
      %swap3A_82 = tpu.vector_load %arg9[%swap3A_80, %swap3A_81] {strides = array<i32>} : memref<128x128xf32, #tpu.memory_space<vmem>>, vector<1x16xf32>,
      %swap3A_83 = vector.shape_cast %swap3A_82 : vector<1x16xf32> to vector<16xf32>
      %swap3A_84 = vector.shape_cast %broadcast_in_dim3A_3 : vector<16xf32> to vector<1x16xf32>
      tpu.vector_store %arg9[%swap3A_80, %swap3A_81], %swap3A_84 {strides = array<i32>} : memref<128x128xf32, #tpu.memory_space<vmem>>, vector<1x16xf32>,
      %swap3A_85 = arith.index_cast %scan3A_50 : i32 to index
      %swap3A_86 = arith.constant 112 : index
      %swap3A_87 = tpu.vector_load %arg9[%swap3A_85, %swap3A_86] {strides = array<i32>} : memref<128x128xf32, #tpu.memory_space<vmem>>, vector<1x16xf32>,
      %swap3A_88 = vector.shape_cast %swap3A_87 : vector<1x16xf32> to vector<16xf32>
      %swap3A_89 = vector.shape_cast %broadcast_in_dim3A_3 : vector<16xf32> to vector<1x16xf32>
      tpu.vector_store %arg9[%swap3A_85, %swap3A_86], %swap3A_89 {strides = array<i32>} : memref<128x128xf32, #tpu.memory_space<vmem>>, vector<1x16xf32>,
      %swap3A_90 = arith.index_cast %scan3A_50 : i32 to index
      %swap3A_91 = arith.constant 0 : index
      %swap3A_92 = tpu.vector_load %arg10[%swap3A_90, %swap3A_91] {strides = array<i32>} : memref<128x128xf32, #tpu.memory_space<vmem>>, vector<1x16xf32>,
      %swap3A_93 = vector.shape_cast %swap3A_92 : vector<1x16xf32> to vector<16xf32>
      %swap3A_94 = vector.shape_cast %broadcast_in_dim3A_3 : vector<16xf32> to vector<1x16xf32>
      tpu.vector_store %arg10[%swap3A_90, %swap3A_91], %swap3A_94 {strides = array<i32>} : memref<128x128xf32, #tpu.memory_space<vmem>>, vector<1x16xf32>,
      %swap3A_95 = arith.index_cast %scan3A_50 : i32 to index
      %swap3A_96 = arith.constant 16 : index
      %swap3A_97 = tpu.vector_load %arg10[%swap3A_95, %swap3A_96] {strides = array<i32>} : memref<128x128xf32, #tpu.memory_space<vmem>>, vector<1x16xf32>,
      %swap3A_98 = vector.shape_cast %swap3A_97 : vector<1x16xf32> to vector<16xf32>
      %swap3A_99 = vector.shape_cast %broadcast_in_dim3A_3 : vector<16xf32> to vector<1x16xf32>
      tpu.vector_store %arg10[%swap3A_95, %swap3A_96], %swap3A_99 {strides = array<i32>} : memref<128x128xf32, #tpu.memory_space<vmem>>, vector<1x16xf32>,
      %swap3A_100 = arith.index_cast %scan3A_50 : i32 to index
      %swap3A_101 = arith.constant 32 : index
      %swap3A_102 = tpu.vector_load %arg10[%swap3A_100, %swap3A_101] {strides = array<i32>} : memref<128x128xf32, #tpu.memory_space<vmem>>, vector<1x16xf32>,
      %swap3A_103 = vector.shape_cast %swap3A_102 : vector<1x16xf32> to vector<16xf32>
      %swap3A_104 = vector.shape_cast %broadcast_in_dim3A_3 : vector<16xf32> to vector<1x16xf32>
      tpu.vector_store %arg10[%swap3A_100, %swap3A_101], %swap3A_104 {strides = array<i32>} : memref<128x128xf32, #tpu.memory_space<vmem>>, vector<1x16xf32>,
      %swap3A_105 = arith.index_cast %scan3A_50 : i32 to index
      %swap3A_106 = arith.constant 48 : index
      %swap3A_107 = tpu.vector_load %arg10[%swap3A_105, %swap3A_106] {strides = array<i32>} : memref<128x128xf32, #tpu.memory_space<vmem>>, vector<1x16xf32>,
      %swap3A_108 = vector.shape_cast %swap3A_107 : vector<1x16xf32> to vector<16xf32>
      %swap3A_109 = vector.shape_cast %broadcast_in_dim3A_3 : vector<16xf32> to vector<1x16xf32>
      tpu.vector_store %arg10[%swap3A_105, %swap3A_106], %swap3A_109 {strides = array<i32>} : memref<128x128xf32, #tpu.memory_space<vmem>>, vector<1x16xf32>,
      %swap3A_110 = arith.index_cast %scan3A_50 : i32 to index
      %swap3A_111 = arith.constant 64 : index
      %swap3A_112 = tpu.vector_load %arg10[%swap3A_110, %swap3A_111] {strides = array<i32>} : memref<128x128xf32, #tpu.memory_space<vmem>>, vector<1x16xf32>,
      %swap3A_113 = vector.shape_cast %swap3A_112 : vector<1x16xf32> to vector<16xf32>
      %swap3A_114 = vector.shape_cast %broadcast_in_dim3A_3 : vector<16xf32> to vector<1x16xf32>
      tpu.vector_store %arg10[%swap3A_110, %swap3A_111], %swap3A_114 {strides = array<i32>} : memref<128x128xf32, #tpu.memory_space<vmem>>, vector<1x16xf32>,
      %swap3A_115 = arith.index_cast %scan3A_50 : i32 to index
      %swap3A_116 = arith.constant 80 : index
      %swap3A_117 = tpu.vector_load %arg10[%swap3A_115, %swap3A_116] {strides = array<i32>} : memref<128x128xf32, #tpu.memory_space<vmem>>, vector<1x16xf32>,
      %swap3A_118 = vector.shape_cast %swap3A_117 : vector<1x16xf32> to vector<16xf32>
      %swap3A_119 = vector.shape_cast %broadcast_in_dim3A_3 : vector<16xf32> to vector<1x16xf32>
      tpu.vector_store %arg10[%swap3A_115, %swap3A_116], %swap3A_119 {strides = array<i32>} : memref<128x128xf32, #tpu.memory_space<vmem>>, vector<1x16xf32>,
      %swap3A_120 = arith.index_cast %scan3A_50 : i32 to index
      %swap3A_121 = arith.constant 96 : index
      %swap3A_122 = tpu.vector_load %arg10[%swap3A_120, %swap3A_121] {strides = array<i32>} : memref<128x128xf32, #tpu.memory_space<vmem>>, vector<1x16xf32>,
      %swap3A_123 = vector.shape_cast %swap3A_122 : vector<1x16xf32> to vector<16xf32>
      %swap3A_124 = vector.shape_cast %broadcast_in_dim3A_3 : vector<16xf32> to vector<1x16xf32>
      tpu.vector_store %arg10[%swap3A_120, %swap3A_121], %swap3A_124 {strides = array<i32>} : memref<128x128xf32, #tpu.memory_space<vmem>>, vector<1x16xf32>,
      %swap3A_125 = arith.index_cast %scan3A_50 : i32 to index
      %swap3A_126 = arith.constant 112 : index
      %swap3A_127 = tpu.vector_load %arg10[%swap3A_125, %swap3A_126] {strides = array<i32>} : memref<128x128xf32, #tpu.memory_space<vmem>>, vector<1x16xf32>,
      %swap3A_128 = vector.shape_cast %swap3A_127 : vector<1x16xf32> to vector<16xf32>
      %swap3A_129 = vector.shape_cast %broadcast_in_dim3A_3 : vector<16xf32> to vector<1x16xf32>
      tpu.vector_store %arg10[%swap3A_125, %swap3A_126], %swap3A_129 {strides = array<i32>} : memref<128x128xf32, #tpu.memory_space<vmem>>, vector<1x16xf32>,
    }
    %scan3A_7 = arith.constant 128 : i32
    %mul3A_8 = arith.constant 640 : i32
    %mul3A_9 = arith.muli %arg1, %mul3A_8 : i32
    %add3A_10 = arith.constant 0 : i32
    %add3A_11 = arith.addi %mul3A_9, %add3A_10 : i32
    "tpu.region"() ({
      %run_scoped3A = tpu.sem_alloc : memref<!tpu.dma_semaphore, #tpu.memory_space<semaphore_mem>>
      %dma_start3A_50 = arith.constant 0 : i32
      %dma_start3A_51 = tpu.memref_slice %arg8[%add3A_11, %dma_start3A_50] : memref<10240x128xf32, #tpu.memory_space<vmem_shared>> -> memref<128x128xf32, #tpu.memory_space<vmem_shared>>
      %dma_start3A_52 = arith.constant 0 : i32
      %dma_start3A_53 = tpu.memref_slice %arg8[%add3A_11, %dma_start3A_52] : memref<10240x128xf32, #tpu.memory_space<vmem_shared>> -> memref<128x128xf32, #tpu.memory_space<vmem_shared>>
      tpu.enqueue_dma source(%arg9 : memref<128x128xf32, #tpu.memory_space<vmem>>) target(%dma_start3A_53 : memref<128x128xf32, #tpu.memory_space<vmem_shared>>) target_semaphore(%run_scoped3A : memref<!tpu.dma_semaphore, #tpu.memory_space<semaphore_mem>>)
      %dma_wait3A_54 = arith.constant 0 : i32
      %dma_wait3A_55 = tpu.memref_slice %arg8[%add3A_11, %dma_wait3A_54] : memref<10240x128xf32, #tpu.memory_space<vmem_shared>> -> memref<128x128xf32, #tpu.memory_space<vmem_shared>>
      %dma_wait3A_56 = arith.constant 0 : i32
      %dma_wait3A_57 = tpu.memref_slice %arg8[%add3A_11, %dma_wait3A_56] : memref<10240x128xf32, #tpu.memory_space<vmem_shared>> -> memref<128x128xf32, #tpu.memory_space<vmem_shared>>
      tpu.wait_dma2 semaphore(%run_scoped3A : memref<!tpu.dma_semaphore, #tpu.memory_space<semaphore_mem>>) src(%arg9 : memref<128x128xf32, #tpu.memory_space<vmem>>) dst(%dma_wait3A_57 : memref<128x128xf32, #tpu.memory_space<vmem_shared>>)
      tpu.yield
    }) : () -> ()
    %mul3A_12 = arith.constant 640 : i32
    %mul3A_13 = arith.muli %arg1, %mul3A_12 : i32
    %add3A_14 = arith.constant 128 : i32
    %add3A_15 = arith.addi %mul3A_13, %add3A_14 : i32
    "tpu.region"() ({
      %run_scoped3A = tpu.sem_alloc : memref<!tpu.dma_semaphore, #tpu.memory_space<semaphore_mem>>
      %dma_start3A_50 = arith.constant 0 : i32
      %dma_start3A_51 = tpu.memref_slice %arg8[%add3A_15, %dma_start3A_50] : memref<10240x128xf32, #tpu.memory_space<vmem_shared>> -> memref<128x128xf32, #tpu.memory_space<vmem_shared>>
      %dma_start3A_52 = arith.constant 0 : i32
      %dma_start3A_53 = tpu.memref_slice %arg8[%add3A_15, %dma_start3A_52] : memref<10240x128xf32, #tpu.memory_space<vmem_shared>> -> memref<128x128xf32, #tpu.memory_space<vmem_shared>>
      tpu.enqueue_dma source(%arg10 : memref<128x128xf32, #tpu.memory_space<vmem>>) target(%dma_start3A_53 : memref<128x128xf32, #tpu.memory_space<vmem_shared>>) target_semaphore(%run_scoped3A : memref<!tpu.dma_semaphore, #tpu.memory_space<semaphore_mem>>)
      %dma_wait3A_54 = arith.constant 0 : i32
      %dma_wait3A_55 = tpu.memref_slice %arg8[%add3A_15, %dma_wait3A_54] : memref<10240x128xf32, #tpu.memory_space<vmem_shared>> -> memref<128x128xf32, #tpu.memory_space<vmem_shared>>
      %dma_wait3A_56 = arith.constant 0 : i32
      %dma_wait3A_57 = tpu.memref_slice %arg8[%add3A_15, %dma_wait3A_56] : memref<10240x128xf32, #tpu.memory_space<vmem_shared>> -> memref<128x128xf32, #tpu.memory_space<vmem_shared>>
      tpu.wait_dma2 semaphore(%run_scoped3A : memref<!tpu.dma_semaphore, #tpu.memory_space<semaphore_mem>>) src(%arg10 : memref<128x128xf32, #tpu.memory_space<vmem>>) dst(%dma_wait3A_57 : memref<128x128xf32, #tpu.memory_space<vmem_shared>>)
      tpu.yield
    }) : () -> ()
    %mul3A_16 = arith.constant 640 : i32
    %mul3A_17 = arith.muli %arg1, %mul3A_16 : i32
    %add3A_18 = arith.constant 256 : i32
    %add3A_19 = arith.addi %mul3A_17, %add3A_18 : i32
    "tpu.region"() ({
      %run_scoped3A = tpu.sem_alloc : memref<!tpu.dma_semaphore, #tpu.memory_space<semaphore_mem>>
      %dma_start3A_50 = arith.constant 0 : i32
      %dma_start3A_51 = tpu.memref_slice %arg8[%add3A_19, %dma_start3A_50] : memref<10240x128xf32, #tpu.memory_space<vmem_shared>> -> memref<128x128xf32, #tpu.memory_space<vmem_shared>>
      %dma_start3A_52 = arith.constant 0 : i32
      %dma_start3A_53 = tpu.memref_slice %arg8[%add3A_19, %dma_start3A_52] : memref<10240x128xf32, #tpu.memory_space<vmem_shared>> -> memref<128x128xf32, #tpu.memory_space<vmem_shared>>
      tpu.enqueue_dma source(%arg9 : memref<128x128xf32, #tpu.memory_space<vmem>>) target(%dma_start3A_53 : memref<128x128xf32, #tpu.memory_space<vmem_shared>>) target_semaphore(%run_scoped3A : memref<!tpu.dma_semaphore, #tpu.memory_space<semaphore_mem>>)
      %dma_wait3A_54 = arith.constant 0 : i32
      %dma_wait3A_55 = tpu.memref_slice %arg8[%add3A_19, %dma_wait3A_54] : memref<10240x128xf32, #tpu.memory_space<vmem_shared>> -> memref<128x128xf32, #tpu.memory_space<vmem_shared>>
      %dma_wait3A_56 = arith.constant 0 : i32
      %dma_wait3A_57 = tpu.memref_slice %arg8[%add3A_19, %dma_wait3A_56] : memref<10240x128xf32, #tpu.memory_space<vmem_shared>> -> memref<128x128xf32, #tpu.memory_space<vmem_shared>>
      tpu.wait_dma2 semaphore(%run_scoped3A : memref<!tpu.dma_semaphore, #tpu.memory_space<semaphore_mem>>) src(%arg9 : memref<128x128xf32, #tpu.memory_space<vmem>>) dst(%dma_wait3A_57 : memref<128x128xf32, #tpu.memory_space<vmem_shared>>)
      tpu.yield
    }) : () -> ()
    %mul3A_20 = arith.constant 640 : i32
    %mul3A_21 = arith.muli %arg1, %mul3A_20 : i32
    %add3A_22 = arith.constant 384 : i32
    %add3A_23 = arith.addi %mul3A_21, %add3A_22 : i32
    "tpu.region"() ({
      %run_scoped3A = tpu.sem_alloc : memref<!tpu.dma_semaphore, #tpu.memory_space<semaphore_mem>>
      %dma_start3A_50 = arith.constant 0 : i32
      %dma_start3A_51 = tpu.memref_slice %arg8[%add3A_23, %dma_start3A_50] : memref<10240x128xf32, #tpu.memory_space<vmem_shared>> -> memref<128x128xf32, #tpu.memory_space<vmem_shared>>
      %dma_start3A_52 = arith.constant 0 : i32
      %dma_start3A_53 = tpu.memref_slice %arg8[%add3A_23, %dma_start3A_52] : memref<10240x128xf32, #tpu.memory_space<vmem_shared>> -> memref<128x128xf32, #tpu.memory_space<vmem_shared>>
      tpu.enqueue_dma source(%arg10 : memref<128x128xf32, #tpu.memory_space<vmem>>) target(%dma_start3A_53 : memref<128x128xf32, #tpu.memory_space<vmem_shared>>) target_semaphore(%run_scoped3A : memref<!tpu.dma_semaphore, #tpu.memory_space<semaphore_mem>>)
      %dma_wait3A_54 = arith.constant 0 : i32
      %dma_wait3A_55 = tpu.memref_slice %arg8[%add3A_23, %dma_wait3A_54] : memref<10240x128xf32, #tpu.memory_space<vmem_shared>> -> memref<128x128xf32, #tpu.memory_space<vmem_shared>>
      %dma_wait3A_56 = arith.constant 0 : i32
      %dma_wait3A_57 = tpu.memref_slice %arg8[%add3A_23, %dma_wait3A_56] : memref<10240x128xf32, #tpu.memory_space<vmem_shared>> -> memref<128x128xf32, #tpu.memory_space<vmem_shared>>
      tpu.wait_dma2 semaphore(%run_scoped3A : memref<!tpu.dma_semaphore, #tpu.memory_space<semaphore_mem>>) src(%arg10 : memref<128x128xf32, #tpu.memory_space<vmem>>) dst(%dma_wait3A_57 : memref<128x128xf32, #tpu.memory_space<vmem_shared>>)
      tpu.yield
    }) : () -> ()
    %mul3A_24 = arith.constant 640 : i32
    %mul3A_25 = arith.muli %arg1, %mul3A_24 : i32
    %add3A_26 = arith.constant 512 : i32
    %add3A_27 = arith.addi %mul3A_25, %add3A_26 : i32
    "tpu.region"() ({
      %run_scoped3A = tpu.sem_alloc : memref<!tpu.dma_semaphore, #tpu.memory_space<semaphore_mem>>
      %dma_start3A_50 = arith.constant 0 : i32
      %dma_start3A_51 = tpu.memref_slice %arg8[%add3A_27, %dma_start3A_50] : memref<10240x128xf32, #tpu.memory_space<vmem_shared>> -> memref<128x128xf32, #tpu.memory_space<vmem_shared>>
      %dma_start3A_52 = arith.constant 0 : i32
      %dma_start3A_53 = tpu.memref_slice %arg8[%add3A_27, %dma_start3A_52] : memref<10240x128xf32, #tpu.memory_space<vmem_shared>> -> memref<128x128xf32, #tpu.memory_space<vmem_shared>>
      tpu.enqueue_dma source(%arg9 : memref<128x128xf32, #tpu.memory_space<vmem>>) target(%dma_start3A_53 : memref<128x128xf32, #tpu.memory_space<vmem_shared>>) target_semaphore(%run_scoped3A : memref<!tpu.dma_semaphore, #tpu.memory_space<semaphore_mem>>)
      %dma_wait3A_54 = arith.constant 0 : i32
      %dma_wait3A_55 = tpu.memref_slice %arg8[%add3A_27, %dma_wait3A_54] : memref<10240x128xf32, #tpu.memory_space<vmem_shared>> -> memref<128x128xf32, #tpu.memory_space<vmem_shared>>
      %dma_wait3A_56 = arith.constant 0 : i32
      %dma_wait3A_57 = tpu.memref_slice %arg8[%add3A_27, %dma_wait3A_56] : memref<10240x128xf32, #tpu.memory_space<vmem_shared>> -> memref<128x128xf32, #tpu.memory_space<vmem_shared>>
      tpu.wait_dma2 semaphore(%run_scoped3A : memref<!tpu.dma_semaphore, #tpu.memory_space<semaphore_mem>>) src(%arg9 : memref<128x128xf32, #tpu.memory_space<vmem>>) dst(%dma_wait3A_57 : memref<128x128xf32, #tpu.memory_space<vmem_shared>>)
      tpu.yield
    }) : () -> ()
    "tpu.region"() ({
      %run_scoped3A = tpu.sem_alloc : memref<!tpu.dma_semaphore, #tpu.memory_space<semaphore_mem>>
      %dma_start3A_50 = arith.constant 0 : i32
      %dma_start3A_51 = tpu.memref_slice %arg4[%mul3A_2, %dma_start3A_50] : memref<2560x128xi32, #tpu.memory_space<hbm>> -> memref<80x128xi32, #tpu.memory_space<hbm>>
      %dma_start3A_52 = arith.constant 0 : i32
      %dma_start3A_53 = tpu.memref_slice %arg4[%mul3A_2, %dma_start3A_52] : memref<2560x128xi32, #tpu.memory_space<hbm>> -> memref<80x128xi32, #tpu.memory_space<hbm>>
      tpu.enqueue_dma source(%dma_start3A_53 : memref<80x128xi32, #tpu.memory_space<hbm>>) target(%arg7 : memref<80x128xi32, #tpu.memory_space<vmem>>) target_semaphore(%run_scoped3A : memref<!tpu.dma_semaphore, #tpu.memory_space<semaphore_mem>>)
      %dma_wait3A_54 = arith.constant 0 : i32
      %dma_wait3A_55 = tpu.memref_slice %arg4[%mul3A_2, %dma_wait3A_54] : memref<2560x128xi32, #tpu.memory_space<hbm>> -> memref<80x128xi32, #tpu.memory_space<hbm>>
      %dma_wait3A_56 = arith.constant 0 : i32
      %dma_wait3A_57 = tpu.memref_slice %arg4[%mul3A_2, %dma_wait3A_56] : memref<2560x128xi32, #tpu.memory_space<hbm>> -> memref<80x128xi32, #tpu.memory_space<hbm>>
      tpu.wait_dma2 semaphore(%run_scoped3A : memref<!tpu.dma_semaphore, #tpu.memory_space<semaphore_mem>>) src(%dma_wait3A_57 : memref<80x128xi32, #tpu.memory_space<hbm>>) dst(%arg7 : memref<80x128xi32, #tpu.memory_space<vmem>>)
      tpu.yield
    }) : () -> ()
    "tpu.region"() ({
      %run_scoped3A = tpu.sem_alloc : memref<!tpu.dma_semaphore, #tpu.memory_space<semaphore_mem>>
      %dma_start3A_50 = arith.constant 0 : i32
      %dma_start3A_51 = arith.constant 0 : i32
      %dma_start3A_52 = tpu.memref_slice %arg6[%dma_start3A_50, %dma_start3A_51] : memref<16x128xi32, #tpu.memory_space<vmem>> -> memref<8x128xi32, #tpu.memory_space<vmem>>
      %dma_start3A_53 = arith.constant 0 : i32
      %dma_start3A_54 = tpu.memref_slice %arg3[%mul3A_2, %dma_start3A_53] : memref<2560x128xi32, #tpu.memory_space<hbm>> -> memref<8x128xi32, #tpu.memory_space<hbm>>
      %dma_start3A_55 = arith.constant 0 : i32
      %dma_start3A_56 = arith.constant 0 : i32
      %dma_start3A_57 = tpu.memref_slice %arg6[%dma_start3A_55, %dma_start3A_56] : memref<16x128xi32, #tpu.memory_space<vmem>> -> memref<8x128xi32, #tpu.memory_space<vmem>>
      %dma_start3A_58 = arith.constant 0 : i32
      %dma_start3A_59 = tpu.memref_slice %arg3[%mul3A_2, %dma_start3A_58] : memref<2560x128xi32, #tpu.memory_space<hbm>> -> memref<8x128xi32, #tpu.memory_space<hbm>>
      tpu.enqueue_dma source(%dma_start3A_59 : memref<8x128xi32, #tpu.memory_space<hbm>>) target(%dma_start3A_57 : memref<8x128xi32, #tpu.memory_space<vmem>>) target_semaphore(%run_scoped3A : memref<!tpu.dma_semaphore, #tpu.memory_space<semaphore_mem>>)
      %dma_wait3A_60 = arith.constant 0 : i32
      %dma_wait3A_61 = arith.constant 0 : i32
      %dma_wait3A_62 = tpu.memref_slice %arg6[%dma_wait3A_60, %dma_wait3A_61] : memref<16x128xi32, #tpu.memory_space<vmem>> -> memref<8x128xi32, #tpu.memory_space<vmem>>
      %dma_wait3A_63 = arith.constant 0 : i32
      %dma_wait3A_64 = tpu.memref_slice %arg3[%mul3A_2, %dma_wait3A_63] : memref<2560x128xi32, #tpu.memory_space<hbm>> -> memref<8x128xi32, #tpu.memory_space<hbm>>
      %dma_wait3A_65 = arith.constant 0 : i32
      %dma_wait3A_66 = arith.constant 0 : i32
      %dma_wait3A_67 = tpu.memref_slice %arg6[%dma_wait3A_65, %dma_wait3A_66] : memref<16x128xi32, #tpu.memory_space<vmem>> -> memref<8x128xi32, #tpu.memory_space<vmem>>
      %dma_wait3A_68 = arith.constant 0 : i32
      %dma_wait3A_69 = tpu.memref_slice %arg3[%mul3A_2, %dma_wait3A_68] : memref<2560x128xi32, #tpu.memory_space<hbm>> -> memref<8x128xi32, #tpu.memory_space<hbm>>
      tpu.wait_dma2 semaphore(%run_scoped3A : memref<!tpu.dma_semaphore, #tpu.memory_space<semaphore_mem>>) src(%dma_wait3A_69 : memref<8x128xi32, #tpu.memory_space<hbm>>) dst(%dma_wait3A_67 : memref<8x128xi32, #tpu.memory_space<vmem>>)
      tpu.yield
    }) : () -> ()
    %barrier3A = arith.constant 0 : index
    tpu.barrier barrier_id(%barrier3A)
    %dma_start3A = arith.constant 0 : i32
    %dma_start3A_28 = arith.constant 0 : i32
    %dma_start3A_29 = tpu.memref_slice %arg6[%dma_start3A, %dma_start3A_28] : memref<16x128xi32, #tpu.memory_space<vmem>> -> memref<1x128xi32, #tpu.memory_space<vmem>>
    %dma_start3A_30 = tpu.memref_squeeze %dma_start3A_29 : memref<1x128xi32, #tpu.memory_space<vmem>> -> memref<128xi32, #tpu.memory_space<vmem>>
    %dma_start3A_31 = arith.constant 0 : i32
    %dma_start3A_32 = arith.constant 0 : i32
    %dma_start3A_33 = tpu.memref_slice %arg2[%dma_start3A_31, %dma_start3A_32] : memref<10000x128xf32, #tpu.memory_space<hbm>> -> memref<10000x128xf32, #tpu.memory_space<hbm>>
    tpu.enqueue_indirect_dma source(%dma_start3A_33 : memref<10000x128xf32, #tpu.memory_space<hbm>>) target(%arg9 : memref<128x128xf32, #tpu.memory_space<vmem>>) offsets(%dma_start3A_30 : memref<128xi32, #tpu.memory_space<vmem>>) semaphore(%arg11 : memref<!tpu.dma_semaphore, #tpu.memory_space<semaphore_mem>>)
    %scan3A_34 = arith.constant 0 : i32
    %scan3A_35 = arith.constant 40 : i32
    %scan3A_36 = arith.addi %scan3A_34, %scan3A_35 : i32
    %scan3A_37 = arith.constant 1 : i32
    scf.for %scan3A_50 = %scan3A_34 to %scan3A_36 step %scan3A_37  : i32 {
      %mul3A_51 = arith.constant 2 : i32
      %mul3A_52 = arith.muli %mul3A_51, %scan3A_50 : i32
      %add3A_53 = arith.constant 0 : i32
      %add3A_54 = arith.addi %mul3A_52, %add3A_53 : i32
      %jit3A = arith.constant 8 : i32
      %div3A = arith.divsi %add3A_54, %jit3A : i32
      %sign3A = arith.constant 0 : i32
      %sign3A_55 = arith.cmpi sgt, %add3A_54, %sign3A : i32
      %sign3A_56 = arith.extui %sign3A_55 : i1 to i32
      %sign3A_57 = arith.constant 0 : i32
      %sign3A_58 = arith.cmpi slt, %add3A_54, %sign3A_57 : i32
      %sign3A_59 = arith.extui %sign3A_58 : i1 to i32
      %sign3A_60 = arith.subi %sign3A_56, %sign3A_59 : i32
      %sign3A_61 = arith.constant 0 : i32
      %sign3A_62 = arith.cmpi sgt, %jit3A, %sign3A_61 : i32
      %sign3A_63 = arith.extui %sign3A_62 : i1 to i32
      %sign3A_64 = arith.constant 0 : i32
      %sign3A_65 = arith.cmpi slt, %jit3A, %sign3A_64 : i32
      %sign3A_66 = arith.extui %sign3A_65 : i1 to i32
      %sign3A_67 = arith.subi %sign3A_63, %sign3A_66 : i32
      %ne3A = arith.cmpi ne, %sign3A_60, %sign3A_67 : i32
      %rem3A = arith.remsi %add3A_54, %jit3A : i32
      %ne3A_68 = arith.constant 0 : i32
      %ne3A_69 = arith.cmpi ne, %rem3A, %ne3A_68 : i32
      %and3A = arith.andi %ne3A, %ne3A_69 : i1
      %sub3A = arith.constant 1 : i32
      %sub3A_70 = arith.subi %div3A, %sub3A : i32
      %select_n3A = arith.select %and3A, %sub3A_70, %div3A : i32
      %jit3A_71 = arith.constant 8 : i32
      %eq3A = arith.constant 0 : i32
      %eq3A_72 = arith.cmpi eq, %jit3A_71, %eq3A : i32
      %jit3A_73 = arith.constant 1 : i32
      %select_n3A_74 = arith.select %eq3A_72, %jit3A_73, %jit3A_71 : i32
      %rem3A_75 = arith.remsi %add3A_54, %select_n3A_74 : i32
      %ne3A_76 = arith.constant 0 : i32
      %ne3A_77 = arith.cmpi ne, %rem3A_75, %ne3A_76 : i32
      %lt3A = arith.constant 0 : i32
      %lt3A_78 = arith.cmpi slt, %rem3A_75, %lt3A : i32
      %lt3A_79 = arith.constant 0 : i32
      %lt3A_80 = arith.cmpi slt, %select_n3A_74, %lt3A_79 : i32
      %ne3A_81 = arith.xori %lt3A_78, %lt3A_80 : i1
      %and3A_82 = arith.andi %ne3A_81, %ne3A_77 : i1
      %add3A_83 = arith.addi %rem3A_75, %select_n3A_74 : i32
      %select_n3A_84 = arith.select %and3A_82, %add3A_83, %rem3A_75 : i32
      %eq3A_85 = arith.constant 0 : i32
      %eq3A_86 = arith.cmpi eq, %select_n3A_84, %eq3A_85 : i32
      %add3A_87 = arith.constant 1 : i32
      %add3A_88 = arith.addi %select_n3A, %add3A_87 : i32
      %lt3A_89 = arith.constant 10 : i32
      %lt3A_90 = arith.cmpi slt, %add3A_88, %lt3A_89 : i32
      %and3A_91 = arith.andi %eq3A_86, %lt3A_90 : i1
      %convert_element_type3A = arith.extui %and3A_91 : i1 to i32
      %cond3A = arith.constant 0 : i32
      %cond3A_92 = arith.cmpi ne, %convert_element_type3A, %cond3A : i32
      scf.if %cond3A_92 {
        %add3A_262 = arith.constant 1 : i32
        %add3A_263 = arith.addi %select_n3A, %add3A_262 : i32
        %jit3A_264 = arith.constant 2 : i32
        %eq3A_265 = arith.constant 0 : i32
        %eq3A_266 = arith.cmpi eq, %jit3A_264, %eq3A_265 : i32
        %jit3A_267 = arith.constant 1 : i32
        %select_n3A_268 = arith.select %eq3A_266, %jit3A_267, %jit3A_264 : i32
        %rem3A_269 = arith.remsi %add3A_263, %select_n3A_268 : i32
        %ne3A_270 = arith.constant 0 : i32
        %ne3A_271 = arith.cmpi ne, %rem3A_269, %ne3A_270 : i32
        %lt3A_272 = arith.constant 0 : i32
        %lt3A_273 = arith.cmpi slt, %rem3A_269, %lt3A_272 : i32
        %lt3A_274 = arith.constant 0 : i32
        %lt3A_275 = arith.cmpi slt, %select_n3A_268, %lt3A_274 : i32
        %ne3A_276 = arith.xori %lt3A_273, %lt3A_275 : i1
        %and3A_277 = arith.andi %ne3A_276, %ne3A_271 : i1
        %add3A_278 = arith.addi %rem3A_269, %select_n3A_268 : i32
        %select_n3A_279 = arith.select %and3A_277, %add3A_278, %rem3A_269 : i32
        %mul3A_280 = arith.constant 8 : i32
        %mul3A_281 = arith.muli %select_n3A_279, %mul3A_280 : i32
        %add3A_282 = arith.constant 1 : i32
        %add3A_283 = arith.addi %select_n3A, %add3A_282 : i32
        %mul3A_284 = arith.constant 8 : i32
        %mul3A_285 = arith.muli %add3A_283, %mul3A_284 : i32
        %add3A_286 = arith.addi %mul3A_2, %mul3A_285 : i32
        "tpu.region"() ({
          %run_scoped3A = tpu.sem_alloc : memref<!tpu.dma_semaphore, #tpu.memory_space<semaphore_mem>>
          %dma_start3A_287 = arith.constant 0 : i32
          %dma_start3A_288 = tpu.memref_slice %arg6[%mul3A_281, %dma_start3A_287] : memref<16x128xi32, #tpu.memory_space<vmem>> -> memref<8x128xi32, #tpu.memory_space<vmem>>
          %dma_start3A_289 = arith.constant 0 : i32
          %dma_start3A_290 = tpu.memref_slice %arg3[%add3A_286, %dma_start3A_289] : memref<2560x128xi32, #tpu.memory_space<hbm>> -> memref<8x128xi32, #tpu.memory_space<hbm>>
          %dma_start3A_291 = arith.constant 0 : i32
          %dma_start3A_292 = tpu.memref_slice %arg6[%mul3A_281, %dma_start3A_291] : memref<16x128xi32, #tpu.memory_space<vmem>> -> memref<8x128xi32, #tpu.memory_space<vmem>>
          %dma_start3A_293 = arith.constant 0 : i32
          %dma_start3A_294 = tpu.memref_slice %arg3[%add3A_286, %dma_start3A_293] : memref<2560x128xi32, #tpu.memory_space<hbm>> -> memref<8x128xi32, #tpu.memory_space<hbm>>
          tpu.enqueue_dma source(%dma_start3A_294 : memref<8x128xi32, #tpu.memory_space<hbm>>) target(%dma_start3A_292 : memref<8x128xi32, #tpu.memory_space<vmem>>) target_semaphore(%run_scoped3A : memref<!tpu.dma_semaphore, #tpu.memory_space<semaphore_mem>>)
          %dma_wait3A_295 = arith.constant 0 : i32
          %dma_wait3A_296 = tpu.memref_slice %arg6[%mul3A_281, %dma_wait3A_295] : memref<16x128xi32, #tpu.memory_space<vmem>> -> memref<8x128xi32, #tpu.memory_space<vmem>>
          %dma_wait3A_297 = arith.constant 0 : i32
          %dma_wait3A_298 = tpu.memref_slice %arg3[%add3A_286, %dma_wait3A_297] : memref<2560x128xi32, #tpu.memory_space<hbm>> -> memref<8x128xi32, #tpu.memory_space<hbm>>
          %dma_wait3A_299 = arith.constant 0 : i32
          %dma_wait3A_300 = tpu.memref_slice %arg6[%mul3A_281, %dma_wait3A_299] : memref<16x128xi32, #tpu.memory_space<vmem>> -> memref<8x128xi32, #tpu.memory_space<vmem>>
          %dma_wait3A_301 = arith.constant 0 : i32
          %dma_wait3A_302 = tpu.memref_slice %arg3[%add3A_286, %dma_wait3A_301] : memref<2560x128xi32, #tpu.memory_space<hbm>> -> memref<8x128xi32, #tpu.memory_space<hbm>>
          tpu.wait_dma2 semaphore(%run_scoped3A : memref<!tpu.dma_semaphore, #tpu.memory_space<semaphore_mem>>) src(%dma_wait3A_302 : memref<8x128xi32, #tpu.memory_space<hbm>>) dst(%dma_wait3A_300 : memref<8x128xi32, #tpu.memory_space<vmem>>)
          tpu.yield
        }) : () -> ()
      } else {
      }
      %ge3A = arith.constant 1 : i32
      %ge3A_93 = arith.cmpi sge, %add3A_54, %ge3A : i32
      %convert_element_type3A_94 = arith.extui %ge3A_93 : i1 to i32
      %cond3A_95 = arith.constant 0 : i32
      %cond3A_96 = arith.cmpi ne, %convert_element_type3A_94, %cond3A_95 : i32
      scf.if %cond3A_96 {
        %sub3A_262 = arith.constant 1 : i32
        %sub3A_263 = arith.subi %add3A_54, %sub3A_262 : i32
        %dma_wait3A_264 = arith.constant 0 : i32
        %dma_wait3A_265 = tpu.memref_slice %arg7[%sub3A_263, %dma_wait3A_264] : memref<80x128xi32, #tpu.memory_space<vmem>> -> memref<1x128xi32, #tpu.memory_space<vmem>>
        %dma_wait3A_266 = tpu.memref_squeeze %dma_wait3A_265 : memref<1x128xi32, #tpu.memory_space<vmem>> -> memref<128xi32, #tpu.memory_space<vmem>>
        %dma_wait3A_267 = arith.constant 0 : i32
        %dma_wait3A_268 = arith.constant 0 : i32
        %dma_wait3A_269 = tpu.memref_slice %arg8[%dma_wait3A_267, %dma_wait3A_268] : memref<10240x128xf32, #tpu.memory_space<vmem_shared>> -> memref<10240x128xf32, #tpu.memory_space<vmem_shared>>
        tpu.wait_indirect_dma semaphore(%arg14 : memref<!tpu.dma_semaphore, #tpu.memory_space<semaphore_mem>>) src(%arg10 : memref<128x128xf32, #tpu.memory_space<vmem>>) dst(%dma_wait3A_269 : memref<10240x128xf32, #tpu.memory_space<vmem_shared>>)
      } else {
      }
      %add3A_97 = arith.constant 1 : i32
      %add3A_98 = arith.addi %add3A_54, %add3A_97 : i32
      %lt3A_99 = arith.constant 80 : i32
      %lt3A_100 = arith.cmpi slt, %add3A_98, %lt3A_99 : i32
      %convert_element_type3A_101 = arith.extui %lt3A_100 : i1 to i32
      %cond3A_102 = arith.constant 0 : i32
      %cond3A_103 = arith.cmpi ne, %convert_element_type3A_101, %cond3A_102 : i32
      scf.if %cond3A_103 {
        %add3A_262 = arith.constant 1 : i32
        %add3A_263 = arith.addi %add3A_54, %add3A_262 : i32
        %jit3A_264 = arith.constant 8 : i32
        %div3A_265 = arith.divsi %add3A_263, %jit3A_264 : i32
        %sign3A_266 = arith.constant 0 : i32
        %sign3A_267 = arith.cmpi sgt, %add3A_263, %sign3A_266 : i32
        %sign3A_268 = arith.extui %sign3A_267 : i1 to i32
        %sign3A_269 = arith.constant 0 : i32
        %sign3A_270 = arith.cmpi slt, %add3A_263, %sign3A_269 : i32
        %sign3A_271 = arith.extui %sign3A_270 : i1 to i32
        %sign3A_272 = arith.subi %sign3A_268, %sign3A_271 : i32
        %sign3A_273 = arith.constant 0 : i32
        %sign3A_274 = arith.cmpi sgt, %jit3A_264, %sign3A_273 : i32
        %sign3A_275 = arith.extui %sign3A_274 : i1 to i32
        %sign3A_276 = arith.constant 0 : i32
        %sign3A_277 = arith.cmpi slt, %jit3A_264, %sign3A_276 : i32
        %sign3A_278 = arith.extui %sign3A_277 : i1 to i32
        %sign3A_279 = arith.subi %sign3A_275, %sign3A_278 : i32
        %ne3A_280 = arith.cmpi ne, %sign3A_272, %sign3A_279 : i32
        %rem3A_281 = arith.remsi %add3A_263, %jit3A_264 : i32
        %ne3A_282 = arith.constant 0 : i32
        %ne3A_283 = arith.cmpi ne, %rem3A_281, %ne3A_282 : i32
        %and3A_284 = arith.andi %ne3A_280, %ne3A_283 : i1
        %sub3A_285 = arith.constant 1 : i32
        %sub3A_286 = arith.subi %div3A_265, %sub3A_285 : i32
        %select_n3A_287 = arith.select %and3A_284, %sub3A_286, %div3A_265 : i32
        %jit3A_288 = arith.constant 2 : i32
        %eq3A_289 = arith.constant 0 : i32
        %eq3A_290 = arith.cmpi eq, %jit3A_288, %eq3A_289 : i32
        %jit3A_291 = arith.constant 1 : i32
        %select_n3A_292 = arith.select %eq3A_290, %jit3A_291, %jit3A_288 : i32
        %rem3A_293 = arith.remsi %select_n3A_287, %select_n3A_292 : i32
        %ne3A_294 = arith.constant 0 : i32
        %ne3A_295 = arith.cmpi ne, %rem3A_293, %ne3A_294 : i32
        %lt3A_296 = arith.constant 0 : i32
        %lt3A_297 = arith.cmpi slt, %rem3A_293, %lt3A_296 : i32
        %lt3A_298 = arith.constant 0 : i32
        %lt3A_299 = arith.cmpi slt, %select_n3A_292, %lt3A_298 : i32
        %ne3A_300 = arith.xori %lt3A_297, %lt3A_299 : i1
        %and3A_301 = arith.andi %ne3A_300, %ne3A_295 : i1
        %add3A_302 = arith.addi %rem3A_293, %select_n3A_292 : i32
        %select_n3A_303 = arith.select %and3A_301, %add3A_302, %rem3A_293 : i32
        %mul3A_304 = arith.constant 8 : i32
        %mul3A_305 = arith.muli %select_n3A_303, %mul3A_304 : i32
        %jit3A_306 = arith.constant 8 : i32
        %eq3A_307 = arith.constant 0 : i32
        %eq3A_308 = arith.cmpi eq, %jit3A_306, %eq3A_307 : i32
        %jit3A_309 = arith.constant 1 : i32
        %select_n3A_310 = arith.select %eq3A_308, %jit3A_309, %jit3A_306 : i32
        %rem3A_311 = arith.remsi %add3A_263, %select_n3A_310 : i32
        %ne3A_312 = arith.constant 0 : i32
        %ne3A_313 = arith.cmpi ne, %rem3A_311, %ne3A_312 : i32
        %lt3A_314 = arith.constant 0 : i32
        %lt3A_315 = arith.cmpi slt, %rem3A_311, %lt3A_314 : i32
        %lt3A_316 = arith.constant 0 : i32
        %lt3A_317 = arith.cmpi slt, %select_n3A_310, %lt3A_316 : i32
        %ne3A_318 = arith.xori %lt3A_315, %lt3A_317 : i1
        %and3A_319 = arith.andi %ne3A_318, %ne3A_313 : i1
        %add3A_320 = arith.addi %rem3A_311, %select_n3A_310 : i32
        %select_n3A_321 = arith.select %and3A_319, %add3A_320, %rem3A_311 : i32
        %add3A_322 = arith.addi %mul3A_305, %select_n3A_321 : i32
        %dma_start3A_323 = arith.constant 0 : i32
        %dma_start3A_324 = tpu.memref_slice %arg6[%add3A_322, %dma_start3A_323] : memref<16x128xi32, #tpu.memory_space<vmem>> -> memref<1x128xi32, #tpu.memory_space<vmem>>
        %dma_start3A_325 = tpu.memref_squeeze %dma_start3A_324 : memref<1x128xi32, #tpu.memory_space<vmem>> -> memref<128xi32, #tpu.memory_space<vmem>>
        %dma_start3A_326 = arith.constant 0 : i32
        %dma_start3A_327 = arith.constant 0 : i32
        %dma_start3A_328 = tpu.memref_slice %arg2[%dma_start3A_326, %dma_start3A_327] : memref<10000x128xf32, #tpu.memory_space<hbm>> -> memref<10000x128xf32, #tpu.memory_space<hbm>>
        tpu.enqueue_indirect_dma source(%dma_start3A_328 : memref<10000x128xf32, #tpu.memory_space<hbm>>) target(%arg10 : memref<128x128xf32, #tpu.memory_space<vmem>>) offsets(%dma_start3A_325 : memref<128xi32, #tpu.memory_space<vmem>>) semaphore(%arg12 : memref<!tpu.dma_semaphore, #tpu.memory_space<semaphore_mem>>)
      } else {
      }
      %jit3A_104 = arith.constant 8 : i32
      %div3A_105 = arith.divsi %add3A_54, %jit3A_104 : i32
      %sign3A_106 = arith.constant 0 : i32
      %sign3A_107 = arith.cmpi sgt, %add3A_54, %sign3A_106 : i32
      %sign3A_108 = arith.extui %sign3A_107 : i1 to i32
      %sign3A_109 = arith.constant 0 : i32
      %sign3A_110 = arith.cmpi slt, %add3A_54, %sign3A_109 : i32
      %sign3A_111 = arith.extui %sign3A_110 : i1 to i32
      %sign3A_112 = arith.subi %sign3A_108, %sign3A_111 : i32
      %sign3A_113 = arith.constant 0 : i32
      %sign3A_114 = arith.cmpi sgt, %jit3A_104, %sign3A_113 : i32
      %sign3A_115 = arith.extui %sign3A_114 : i1 to i32
      %sign3A_116 = arith.constant 0 : i32
      %sign3A_117 = arith.cmpi slt, %jit3A_104, %sign3A_116 : i32
      %sign3A_118 = arith.extui %sign3A_117 : i1 to i32
      %sign3A_119 = arith.subi %sign3A_115, %sign3A_118 : i32
      %ne3A_120 = arith.cmpi ne, %sign3A_112, %sign3A_119 : i32
      %rem3A_121 = arith.remsi %add3A_54, %jit3A_104 : i32
      %ne3A_122 = arith.constant 0 : i32
      %ne3A_123 = arith.cmpi ne, %rem3A_121, %ne3A_122 : i32
      %and3A_124 = arith.andi %ne3A_120, %ne3A_123 : i1
      %sub3A_125 = arith.constant 1 : i32
      %sub3A_126 = arith.subi %div3A_105, %sub3A_125 : i32
      %select_n3A_127 = arith.select %and3A_124, %sub3A_126, %div3A_105 : i32
      %jit3A_128 = arith.constant 2 : i32
      %eq3A_129 = arith.constant 0 : i32
      %eq3A_130 = arith.cmpi eq, %jit3A_128, %eq3A_129 : i32
      %jit3A_131 = arith.constant 1 : i32
      %select_n3A_132 = arith.select %eq3A_130, %jit3A_131, %jit3A_128 : i32
      %rem3A_133 = arith.remsi %select_n3A_127, %select_n3A_132 : i32
      %ne3A_134 = arith.constant 0 : i32
      %ne3A_135 = arith.cmpi ne, %rem3A_133, %ne3A_134 : i32
      %lt3A_136 = arith.constant 0 : i32
      %lt3A_137 = arith.cmpi slt, %rem3A_133, %lt3A_136 : i32
      %lt3A_138 = arith.constant 0 : i32
      %lt3A_139 = arith.cmpi slt, %select_n3A_132, %lt3A_138 : i32
      %ne3A_140 = arith.xori %lt3A_137, %lt3A_139 : i1
      %and3A_141 = arith.andi %ne3A_140, %ne3A_135 : i1
      %add3A_142 = arith.addi %rem3A_133, %select_n3A_132 : i32
      %select_n3A_143 = arith.select %and3A_141, %add3A_142, %rem3A_133 : i32
      %mul3A_144 = arith.constant 8 : i32
      %mul3A_145 = arith.muli %select_n3A_143, %mul3A_144 : i32
      %jit3A_146 = arith.constant 8 : i32
      %eq3A_147 = arith.constant 0 : i32
      %eq3A_148 = arith.cmpi eq, %jit3A_146, %eq3A_147 : i32
      %jit3A_149 = arith.constant 1 : i32
      %select_n3A_150 = arith.select %eq3A_148, %jit3A_149, %jit3A_146 : i32
      %rem3A_151 = arith.remsi %add3A_54, %select_n3A_150 : i32
      %ne3A_152 = arith.constant 0 : i32
      %ne3A_153 = arith.cmpi ne, %rem3A_151, %ne3A_152 : i32
      %lt3A_154 = arith.constant 0 : i32
      %lt3A_155 = arith.cmpi slt, %rem3A_151, %lt3A_154 : i32
      %lt3A_156 = arith.constant 0 : i32
      %lt3A_157 = arith.cmpi slt, %select_n3A_150, %lt3A_156 : i32
      %ne3A_158 = arith.xori %lt3A_155, %lt3A_157 : i1
      %and3A_159 = arith.andi %ne3A_158, %ne3A_153 : i1
      %add3A_160 = arith.addi %rem3A_151, %select_n3A_150 : i32
      %select_n3A_161 = arith.select %and3A_159, %add3A_160, %rem3A_151 : i32
      %add3A_162 = arith.addi %mul3A_145, %select_n3A_161 : i32
      %dma_wait3A_163 = arith.constant 0 : i32
      %dma_wait3A_164 = tpu.memref_slice %arg6[%add3A_162, %dma_wait3A_163] : memref<16x128xi32, #tpu.memory_space<vmem>> -> memref<1x128xi32, #tpu.memory_space<vmem>>
      %dma_wait3A_165 = tpu.memref_squeeze %dma_wait3A_164 : memref<1x128xi32, #tpu.memory_space<vmem>> -> memref<128xi32, #tpu.memory_space<vmem>>
      %dma_wait3A_166 = arith.constant 0 : i32
      %dma_wait3A_167 = arith.constant 0 : i32
      %dma_wait3A_168 = tpu.memref_slice %arg2[%dma_wait3A_166, %dma_wait3A_167] : memref<10000x128xf32, #tpu.memory_space<hbm>> -> memref<10000x128xf32, #tpu.memory_space<hbm>>
      tpu.wait_indirect_dma semaphore(%arg11 : memref<!tpu.dma_semaphore, #tpu.memory_space<semaphore_mem>>) src(%dma_wait3A_168 : memref<10000x128xf32, #tpu.memory_space<hbm>>) dst(%arg9 : memref<128x128xf32, #tpu.memory_space<vmem>>)
      %dma_start3A_169 = arith.constant 0 : i32
      %dma_start3A_170 = tpu.memref_slice %arg7[%add3A_54, %dma_start3A_169] : memref<80x128xi32, #tpu.memory_space<vmem>> -> memref<1x128xi32, #tpu.memory_space<vmem>>
      %dma_start3A_171 = tpu.memref_squeeze %dma_start3A_170 : memref<1x128xi32, #tpu.memory_space<vmem>> -> memref<128xi32, #tpu.memory_space<vmem>>
      %dma_start3A_172 = arith.constant 0 : i32
      %dma_start3A_173 = arith.constant 0 : i32
      %dma_start3A_174 = tpu.memref_slice %arg8[%dma_start3A_172, %dma_start3A_173] : memref<10240x128xf32, #tpu.memory_space<vmem_shared>> -> memref<10240x128xf32, #tpu.memory_space<vmem_shared>>
      tpu.enqueue_indirect_dma source(%arg9 : memref<128x128xf32, #tpu.memory_space<vmem>>) target(%dma_start3A_174 : memref<10240x128xf32, #tpu.memory_space<vmem_shared>>) offsets(%dma_start3A_171 : memref<128xi32, #tpu.memory_space<vmem>>) semaphore(%arg13 : memref<!tpu.dma_semaphore, #tpu.memory_space<semaphore_mem>>) {add = true}
      %mul3A_175 = arith.constant 2 : i32
      %mul3A_176 = arith.muli %mul3A_175, %scan3A_50 : i32
      %add3A_177 = arith.constant 1 : i32
      %add3A_178 = arith.addi %mul3A_176, %add3A_177 : i32
      %ge3A_179 = arith.constant 1 : i32
      %ge3A_180 = arith.cmpi sge, %add3A_178, %ge3A_179 : i32
      %convert_element_type3A_181 = arith.extui %ge3A_180 : i1 to i32
      %cond3A_182 = arith.constant 0 : i32
      %cond3A_183 = arith.cmpi ne, %convert_element_type3A_181, %cond3A_182 : i32
      scf.if %cond3A_183 {
        %sub3A_262 = arith.constant 1 : i32
        %sub3A_263 = arith.subi %add3A_178, %sub3A_262 : i32
        %dma_wait3A_264 = arith.constant 0 : i32
        %dma_wait3A_265 = tpu.memref_slice %arg7[%sub3A_263, %dma_wait3A_264] : memref<80x128xi32, #tpu.memory_space<vmem>> -> memref<1x128xi32, #tpu.memory_space<vmem>>
        %dma_wait3A_266 = tpu.memref_squeeze %dma_wait3A_265 : memref<1x128xi32, #tpu.memory_space<vmem>> -> memref<128xi32, #tpu.memory_space<vmem>>
        %dma_wait3A_267 = arith.constant 0 : i32
        %dma_wait3A_268 = arith.constant 0 : i32
        %dma_wait3A_269 = tpu.memref_slice %arg8[%dma_wait3A_267, %dma_wait3A_268] : memref<10240x128xf32, #tpu.memory_space<vmem_shared>> -> memref<10240x128xf32, #tpu.memory_space<vmem_shared>>
        tpu.wait_indirect_dma semaphore(%arg13 : memref<!tpu.dma_semaphore, #tpu.memory_space<semaphore_mem>>) src(%arg9 : memref<128x128xf32, #tpu.memory_space<vmem>>) dst(%dma_wait3A_269 : memref<10240x128xf32, #tpu.memory_space<vmem_shared>>)
      } else {
      }
      %add3A_184 = arith.constant 1 : i32
      %add3A_185 = arith.addi %add3A_178, %add3A_184 : i32
      %lt3A_186 = arith.constant 80 : i32
      %lt3A_187 = arith.cmpi slt, %add3A_185, %lt3A_186 : i32
      %convert_element_type3A_188 = arith.extui %lt3A_187 : i1 to i32
      %cond3A_189 = arith.constant 0 : i32
      %cond3A_190 = arith.cmpi ne, %convert_element_type3A_188, %cond3A_189 : i32
      scf.if %cond3A_190 {
        %add3A_262 = arith.constant 1 : i32
        %add3A_263 = arith.addi %add3A_178, %add3A_262 : i32
        %jit3A_264 = arith.constant 8 : i32
        %div3A_265 = arith.divsi %add3A_263, %jit3A_264 : i32
        %sign3A_266 = arith.constant 0 : i32
        %sign3A_267 = arith.cmpi sgt, %add3A_263, %sign3A_266 : i32
        %sign3A_268 = arith.extui %sign3A_267 : i1 to i32
        %sign3A_269 = arith.constant 0 : i32
        %sign3A_270 = arith.cmpi slt, %add3A_263, %sign3A_269 : i32
        %sign3A_271 = arith.extui %sign3A_270 : i1 to i32
        %sign3A_272 = arith.subi %sign3A_268, %sign3A_271 : i32
        %sign3A_273 = arith.constant 0 : i32
        %sign3A_274 = arith.cmpi sgt, %jit3A_264, %sign3A_273 : i32
        %sign3A_275 = arith.extui %sign3A_274 : i1 to i32
        %sign3A_276 = arith.constant 0 : i32
        %sign3A_277 = arith.cmpi slt, %jit3A_264, %sign3A_276 : i32
        %sign3A_278 = arith.extui %sign3A_277 : i1 to i32
        %sign3A_279 = arith.subi %sign3A_275, %sign3A_278 : i32
        %ne3A_280 = arith.cmpi ne, %sign3A_272, %sign3A_279 : i32
        %rem3A_281 = arith.remsi %add3A_263, %jit3A_264 : i32
        %ne3A_282 = arith.constant 0 : i32
        %ne3A_283 = arith.cmpi ne, %rem3A_281, %ne3A_282 : i32
        %and3A_284 = arith.andi %ne3A_280, %ne3A_283 : i1
        %sub3A_285 = arith.constant 1 : i32
        %sub3A_286 = arith.subi %div3A_265, %sub3A_285 : i32
        %select_n3A_287 = arith.select %and3A_284, %sub3A_286, %div3A_265 : i32
        %jit3A_288 = arith.constant 2 : i32
        %eq3A_289 = arith.constant 0 : i32
        %eq3A_290 = arith.cmpi eq, %jit3A_288, %eq3A_289 : i32
        %jit3A_291 = arith.constant 1 : i32
        %select_n3A_292 = arith.select %eq3A_290, %jit3A_291, %jit3A_288 : i32
        %rem3A_293 = arith.remsi %select_n3A_287, %select_n3A_292 : i32
        %ne3A_294 = arith.constant 0 : i32
        %ne3A_295 = arith.cmpi ne, %rem3A_293, %ne3A_294 : i32
        %lt3A_296 = arith.constant 0 : i32
        %lt3A_297 = arith.cmpi slt, %rem3A_293, %lt3A_296 : i32
        %lt3A_298 = arith.constant 0 : i32
        %lt3A_299 = arith.cmpi slt, %select_n3A_292, %lt3A_298 : i32
        %ne3A_300 = arith.xori %lt3A_297, %lt3A_299 : i1
        %and3A_301 = arith.andi %ne3A_300, %ne3A_295 : i1
        %add3A_302 = arith.addi %rem3A_293, %select_n3A_292 : i32
        %select_n3A_303 = arith.select %and3A_301, %add3A_302, %rem3A_293 : i32
        %mul3A_304 = arith.constant 8 : i32
        %mul3A_305 = arith.muli %select_n3A_303, %mul3A_304 : i32
        %jit3A_306 = arith.constant 8 : i32
        %eq3A_307 = arith.constant 0 : i32
        %eq3A_308 = arith.cmpi eq, %jit3A_306, %eq3A_307 : i32
        %jit3A_309 = arith.constant 1 : i32
        %select_n3A_310 = arith.select %eq3A_308, %jit3A_309, %jit3A_306 : i32
        %rem3A_311 = arith.remsi %add3A_263, %select_n3A_310 : i32
        %ne3A_312 = arith.constant 0 : i32
        %ne3A_313 = arith.cmpi ne, %rem3A_311, %ne3A_312 : i32
        %lt3A_314 = arith.constant 0 : i32
        %lt3A_315 = arith.cmpi slt, %rem3A_311, %lt3A_314 : i32
        %lt3A_316 = arith.constant 0 : i32
        %lt3A_317 = arith.cmpi slt, %select_n3A_310, %lt3A_316 : i32
        %ne3A_318 = arith.xori %lt3A_315, %lt3A_317 : i1
        %and3A_319 = arith.andi %ne3A_318, %ne3A_313 : i1
        %add3A_320 = arith.addi %rem3A_311, %select_n3A_310 : i32
        %select_n3A_321 = arith.select %and3A_319, %add3A_320, %rem3A_311 : i32
        %add3A_322 = arith.addi %mul3A_305, %select_n3A_321 : i32
        %dma_start3A_323 = arith.constant 0 : i32
        %dma_start3A_324 = tpu.memref_slice %arg6[%add3A_322, %dma_start3A_323] : memref<16x128xi32, #tpu.memory_space<vmem>> -> memref<1x128xi32, #tpu.memory_space<vmem>>
        %dma_start3A_325 = tpu.memref_squeeze %dma_start3A_324 : memref<1x128xi32, #tpu.memory_space<vmem>> -> memref<128xi32, #tpu.memory_space<vmem>>
        %dma_start3A_326 = arith.constant 0 : i32
        %dma_start3A_327 = arith.constant 0 : i32
        %dma_start3A_328 = tpu.memref_slice %arg2[%dma_start3A_326, %dma_start3A_327] : memref<10000x128xf32, #tpu.memory_space<hbm>> -> memref<10000x128xf32, #tpu.memory_space<hbm>>
        tpu.enqueue_indirect_dma source(%dma_start3A_328 : memref<10000x128xf32, #tpu.memory_space<hbm>>) target(%arg9 : memref<128x128xf32, #tpu.memory_space<vmem>>) offsets(%dma_start3A_325 : memref<128xi32, #tpu.memory_space<vmem>>) semaphore(%arg11 : memref<!tpu.dma_semaphore, #tpu.memory_space<semaphore_mem>>)
      } else {
      }
      %jit3A_191 = arith.constant 8 : i32
      %div3A_192 = arith.divsi %add3A_178, %jit3A_191 : i32
      %sign3A_193 = arith.constant 0 : i32
      %sign3A_194 = arith.cmpi sgt, %add3A_178, %sign3A_193 : i32
      %sign3A_195 = arith.extui %sign3A_194 : i1 to i32
      %sign3A_196 = arith.constant 0 : i32
      %sign3A_197 = arith.cmpi slt, %add3A_178, %sign3A_196 : i32
      %sign3A_198 = arith.extui %sign3A_197 : i1 to i32
      %sign3A_199 = arith.subi %sign3A_195, %sign3A_198 : i32
      %sign3A_200 = arith.constant 0 : i32
      %sign3A_201 = arith.cmpi sgt, %jit3A_191, %sign3A_200 : i32
      %sign3A_202 = arith.extui %sign3A_201 : i1 to i32
      %sign3A_203 = arith.constant 0 : i32
      %sign3A_204 = arith.cmpi slt, %jit3A_191, %sign3A_203 : i32
      %sign3A_205 = arith.extui %sign3A_204 : i1 to i32
      %sign3A_206 = arith.subi %sign3A_202, %sign3A_205 : i32
      %ne3A_207 = arith.cmpi ne, %sign3A_199, %sign3A_206 : i32
      %rem3A_208 = arith.remsi %add3A_178, %jit3A_191 : i32
      %ne3A_209 = arith.constant 0 : i32
      %ne3A_210 = arith.cmpi ne, %rem3A_208, %ne3A_209 : i32
      %and3A_211 = arith.andi %ne3A_207, %ne3A_210 : i1
      %sub3A_212 = arith.constant 1 : i32
      %sub3A_213 = arith.subi %div3A_192, %sub3A_212 : i32
      %select_n3A_214 = arith.select %and3A_211, %sub3A_213, %div3A_192 : i32
      %jit3A_215 = arith.constant 2 : i32
      %eq3A_216 = arith.constant 0 : i32
      %eq3A_217 = arith.cmpi eq, %jit3A_215, %eq3A_216 : i32
      %jit3A_218 = arith.constant 1 : i32
      %select_n3A_219 = arith.select %eq3A_217, %jit3A_218, %jit3A_215 : i32
      %rem3A_220 = arith.remsi %select_n3A_214, %select_n3A_219 : i32
      %ne3A_221 = arith.constant 0 : i32
      %ne3A_222 = arith.cmpi ne, %rem3A_220, %ne3A_221 : i32
      %lt3A_223 = arith.constant 0 : i32
      %lt3A_224 = arith.cmpi slt, %rem3A_220, %lt3A_223 : i32
      %lt3A_225 = arith.constant 0 : i32
      %lt3A_226 = arith.cmpi slt, %select_n3A_219, %lt3A_225 : i32
      %ne3A_227 = arith.xori %lt3A_224, %lt3A_226 : i1
      %and3A_228 = arith.andi %ne3A_227, %ne3A_222 : i1
      %add3A_229 = arith.addi %rem3A_220, %select_n3A_219 : i32
      %select_n3A_230 = arith.select %and3A_228, %add3A_229, %rem3A_220 : i32
      %mul3A_231 = arith.constant 8 : i32
      %mul3A_232 = arith.muli %select_n3A_230, %mul3A_231 : i32
      %jit3A_233 = arith.constant 8 : i32
      %eq3A_234 = arith.constant 0 : i32
      %eq3A_235 = arith.cmpi eq, %jit3A_233, %eq3A_234 : i32
      %jit3A_236 = arith.constant 1 : i32
      %select_n3A_237 = arith.select %eq3A_235, %jit3A_236, %jit3A_233 : i32
      %rem3A_238 = arith.remsi %add3A_178, %select_n3A_237 : i32
      %ne3A_239 = arith.constant 0 : i32
      %ne3A_240 = arith.cmpi ne, %rem3A_238, %ne3A_239 : i32
      %lt3A_241 = arith.constant 0 : i32
      %lt3A_242 = arith.cmpi slt, %rem3A_238, %lt3A_241 : i32
      %lt3A_243 = arith.constant 0 : i32
      %lt3A_244 = arith.cmpi slt, %select_n3A_237, %lt3A_243 : i32
      %ne3A_245 = arith.xori %lt3A_242, %lt3A_244 : i1
      %and3A_246 = arith.andi %ne3A_245, %ne3A_240 : i1
      %add3A_247 = arith.addi %rem3A_238, %select_n3A_237 : i32
      %select_n3A_248 = arith.select %and3A_246, %add3A_247, %rem3A_238 : i32
      %add3A_249 = arith.addi %mul3A_232, %select_n3A_248 : i32
      %dma_wait3A_250 = arith.constant 0 : i32
      %dma_wait3A_251 = tpu.memref_slice %arg6[%add3A_249, %dma_wait3A_250] : memref<16x128xi32, #tpu.memory_space<vmem>> -> memref<1x128xi32, #tpu.memory_space<vmem>>
      %dma_wait3A_252 = tpu.memref_squeeze %dma_wait3A_251 : memref<1x128xi32, #tpu.memory_space<vmem>> -> memref<128xi32, #tpu.memory_space<vmem>>
      %dma_wait3A_253 = arith.constant 0 : i32
      %dma_wait3A_254 = arith.constant 0 : i32
      %dma_wait3A_255 = tpu.memref_slice %arg2[%dma_wait3A_253, %dma_wait3A_254] : memref<10000x128xf32, #tpu.memory_space<hbm>> -> memref<10000x128xf32, #tpu.memory_space<hbm>>
      tpu.wait_indirect_dma semaphore(%arg12 : memref<!tpu.dma_semaphore, #tpu.memory_space<semaphore_mem>>) src(%dma_wait3A_255 : memref<10000x128xf32, #tpu.memory_space<hbm>>) dst(%arg10 : memref<128x128xf32, #tpu.memory_space<vmem>>)
      %dma_start3A_256 = arith.constant 0 : i32
      %dma_start3A_257 = tpu.memref_slice %arg7[%add3A_178, %dma_start3A_256] : memref<80x128xi32, #tpu.memory_space<vmem>> -> memref<1x128xi32, #tpu.memory_space<vmem>>
      %dma_start3A_258 = tpu.memref_squeeze %dma_start3A_257 : memref<1x128xi32, #tpu.memory_space<vmem>> -> memref<128xi32, #tpu.memory_space<vmem>>
      %dma_start3A_259 = arith.constant 0 : i32
      %dma_start3A_260 = arith.constant 0 : i32
      %dma_start3A_261 = tpu.memref_slice %arg8[%dma_start3A_259, %dma_start3A_260] : memref<10240x128xf32, #tpu.memory_space<vmem_shared>> -> memref<10240x128xf32, #tpu.memory_space<vmem_shared>>
      tpu.enqueue_indirect_dma source(%arg10 : memref<128x128xf32, #tpu.memory_space<vmem>>) target(%dma_start3A_261 : memref<10240x128xf32, #tpu.memory_space<vmem_shared>>) offsets(%dma_start3A_258 : memref<128xi32, #tpu.memory_space<vmem>>) semaphore(%arg14 : memref<!tpu.dma_semaphore, #tpu.memory_space<semaphore_mem>>) {add = true}
    }
    %scan3A_38 = arith.constant 40 : i32
    %dma_wait3A = arith.constant 79 : i32
    %dma_wait3A_39 = arith.constant 0 : i32
    %dma_wait3A_40 = tpu.memref_slice %arg7[%dma_wait3A, %dma_wait3A_39] : memref<80x128xi32, #tpu.memory_space<vmem>> -> memref<1x128xi32, #tpu.memory_space<vmem>>
    %dma_wait3A_41 = tpu.memref_squeeze %dma_wait3A_40 : memref<1x128xi32, #tpu.memory_space<vmem>> -> memref<128xi32, #tpu.memory_space<vmem>>
    %dma_wait3A_42 = arith.constant 0 : i32
    %dma_wait3A_43 = arith.constant 0 : i32
    %dma_wait3A_44 = tpu.memref_slice %arg8[%dma_wait3A_42, %dma_wait3A_43] : memref<10240x128xf32, #tpu.memory_space<vmem_shared>> -> memref<10240x128xf32, #tpu.memory_space<vmem_shared>>
    tpu.wait_indirect_dma semaphore(%arg14 : memref<!tpu.dma_semaphore, #tpu.memory_space<semaphore_mem>>) src(%arg10 : memref<128x128xf32, #tpu.memory_space<vmem>>) dst(%dma_wait3A_44 : memref<10240x128xf32, #tpu.memory_space<vmem_shared>>)
    %barrier3A_45 = arith.constant 0 : index
    tpu.barrier barrier_id(%barrier3A_45)
    %mul3A_46 = arith.constant 640 : i32
    %mul3A_47 = arith.muli %arg1, %mul3A_46 : i32
    %mul3A_48 = arith.constant 640 : i32
    %mul3A_49 = arith.muli %arg1, %mul3A_48 : i32
    "tpu.region"() ({
      %run_scoped3A = tpu.sem_alloc : memref<!tpu.dma_semaphore, #tpu.memory_space<semaphore_mem>>
      %dma_start3A_50 = arith.constant 0 : i32
      %dma_start3A_51 = arith.constant 0 : i32
      %dma_start3A_52 = tpu.memref_slice %arg5[%arg0, %dma_start3A_50, %dma_start3A_51] : memref<2x10240x128xf32, #tpu.memory_space<hbm>> -> memref<1x10240x128xf32, #tpu.memory_space<hbm>>
      %dma_start3A_53 = tpu.memref_squeeze %dma_start3A_52 : memref<1x10240x128xf32, #tpu.memory_space<hbm>> -> memref<10240x128xf32, #tpu.memory_space<hbm>>
      %dma_start3A_54 = arith.constant 0 : i32
      %dma_start3A_55 = tpu.memref_slice %dma_start3A_53[%mul3A_49, %dma_start3A_54] : memref<10240x128xf32, #tpu.memory_space<hbm>> -> memref<640x128xf32, #tpu.memory_space<hbm>>
      %dma_start3A_56 = arith.constant 0 : i32
      %dma_start3A_57 = tpu.memref_slice %arg8[%mul3A_47, %dma_start3A_56] : memref<10240x128xf32, #tpu.memory_space<vmem_shared>> -> memref<640x128xf32, #tpu.memory_space<vmem_shared>>
      tpu.enqueue_dma source(%dma_start3A_57 : memref<640x128xf32, #tpu.memory_space<vmem_shared>>) target(%dma_start3A_55 : memref<640x128xf32, #tpu.memory_space<hbm>>) target_semaphore(%run_scoped3A : memref<!tpu.dma_semaphore, #tpu.memory_space<semaphore_mem>>)
      %dma_wait3A_58 = arith.constant 0 : i32
      %dma_wait3A_59 = arith.constant 0 : i32
      %dma_wait3A_60 = tpu.memref_slice %arg5[%arg0, %dma_wait3A_58, %dma_wait3A_59] : memref<2x10240x128xf32, #tpu.memory_space<hbm>> -> memref<1x10240x128xf32, #tpu.memory_space<hbm>>
      %dma_wait3A_61 = tpu.memref_squeeze %dma_wait3A_60 : memref<1x10240x128xf32, #tpu.memory_space<hbm>> -> memref<10240x128xf32, #tpu.memory_space<hbm>>
      %dma_wait3A_62 = arith.constant 0 : i32
      %dma_wait3A_63 = tpu.memref_slice %dma_wait3A_61[%mul3A_49, %dma_wait3A_62] : memref<10240x128xf32, #tpu.memory_space<hbm>> -> memref<640x128xf32, #tpu.memory_space<hbm>>
      %dma_wait3A_64 = arith.constant 0 : i32
      %dma_wait3A_65 = tpu.memref_slice %arg8[%mul3A_47, %dma_wait3A_64] : memref<10240x128xf32, #tpu.memory_space<vmem_shared>> -> memref<640x128xf32, #tpu.memory_space<vmem_shared>>
      tpu.wait_dma2 semaphore(%run_scoped3A : memref<!tpu.dma_semaphore, #tpu.memory_space<semaphore_mem>>) src(%dma_wait3A_65 : memref<640x128xf32, #tpu.memory_space<vmem_shared>>) dst(%dma_wait3A_63 : memref<640x128xf32, #tpu.memory_space<hbm>>)
      tpu.yield
    }) : () -> ()
    return
  }
}

module attributes {stable_mosaic.version = 14 : i64} {
  func.func @_norm_body(%arg0: memref<2x10240xf32, #tpu.memory_space<vmem>>, %arg1: memref<10240x1xf32, #tpu.memory_space<vmem>>) attributes {dimension_semantics = [], scalar_prefetch = 0 : i64, scratch_operands = 0 : i64, tpu.core_type = #tpu.core_type<tc>} {
    %get3A = arith.constant 0 : index
    %get3A_0 = arith.constant 0 : index
    %get3A_1 = vector.load %arg0[%get3A, %get3A_0] : memref<2x10240xf32, #tpu.memory_space<vmem>>, vector<2x10240xf32>
    %reduce_sum3A = arith.constant dense<0.000000e+00> : vector<10240xf32>
    %reduce_sum3A_2 = vector.multi_reduction <add>, %get3A_1, %reduce_sum3A [0] : vector<2x10240xf32> to vector<10240xf32>
    %broadcast_in_dim3A = vector.shape_cast %reduce_sum3A_2 : vector<10240xf32> to vector<1x10240xf32>
    %max3A = arith.constant 1.000000e+00 : f32
    %max3A_3 = vector.broadcast %max3A : f32 to vector<1x10240xf32>
    %max3A_4 = arith.maximumf %broadcast_in_dim3A, %max3A_3 : vector<1x10240xf32>
    %rsqrt3A = math.rsqrt %max3A_4 : vector<1x10240xf32>
    %transpose3A = tpu.transpose %rsqrt3A, [1, 0] : vector<1x10240xf32> -> vector<10240x1xf32>
    %swap3A = arith.constant 0 : index
    %swap3A_5 = arith.constant 0 : index
    %swap3A_6 = vector.load %arg1[%swap3A, %swap3A_5] : memref<10240x1xf32, #tpu.memory_space<vmem>>, vector<10240x1xf32>
    tpu.vector_store %arg1[%swap3A, %swap3A_5], %transpose3A {strides = array<i32>} : memref<10240x1xf32, #tpu.memory_space<vmem>>, vector<10240x1xf32>,
    return
  }
}

module attributes {stable_mosaic.version = 14 : i64} {
  func.func @_scale_body(%arg0: i32, %arg1: memref<2000x128xf32, #tpu.memory_space<vmem>>, %arg2: memref<2000x1xf32, #tpu.memory_space<vmem>>, %arg3: memref<2000x128xf32, #tpu.memory_space<vmem>>) attributes {dimension_semantics = [#tpu.dimension_semantics<arbitrary>], iteration_bounds = array<i64: 5>, scalar_prefetch = 0 : i64, scratch_operands = 0 : i64, tpu.core_type = #tpu.core_type<tc>, window_params = [{transform_indices = @transform_0, window_bounds = array<i64: 2000, 128>}, {transform_indices = @transform_1, window_bounds = array<i64: 2000, 1>}, {transform_indices = @transform_2, window_bounds = array<i64: 2000, 128>}]} {
    %get3A = arith.constant 0 : index
    %get3A_0 = arith.constant 0 : index
    %get3A_1 = vector.load %arg1[%get3A, %get3A_0] : memref<2000x128xf32, #tpu.memory_space<vmem>>, vector<2000x128xf32>
    %get3A_2 = arith.constant 0 : index
    %get3A_3 = arith.constant 0 : index
    %get3A_4 = vector.load %arg2[%get3A_2, %get3A_3] : memref<2000x1xf32, #tpu.memory_space<vmem>>, vector<2000x1xf32>
    %mul3A = vector.broadcast %get3A_4 : vector<2000x1xf32> to vector<2000x128xf32>
    %mul3A_5 = arith.mulf %get3A_1, %mul3A : vector<2000x128xf32>
    %swap3A = arith.constant 0 : index
    %swap3A_6 = arith.constant 0 : index
    %swap3A_7 = vector.load %arg3[%swap3A, %swap3A_6] : memref<2000x128xf32, #tpu.memory_space<vmem>>, vector<2000x128xf32>
    tpu.vector_store %arg3[%swap3A, %swap3A_6], %mul3A_5 {strides = array<i32>} : memref<2000x128xf32, #tpu.memory_space<vmem>>, vector<2000x128xf32>,
    return
  }
  func.func @transform_0(%arg0: i32) -> (i32, i32) {
    %c0_i32 = arith.constant 0 : i32
    %c0_i32_0 = arith.constant 0 : i32
    return %arg0, %c0_i32 : i32, i32
  }
  func.func @transform_1(%arg0: i32) -> (i32, i32) {
    %c0_i32 = arith.constant 0 : i32
    %c0_i32_0 = arith.constant 0 : i32
    return %arg0, %c0_i32 : i32, i32
  }
  func.func @transform_2(%arg0: i32) -> (i32, i32) {
    %c0_i32 = arith.constant 0 : i32
    %c0_i32_0 = arith.constant 0 : i32
    return %arg0, %c0_i32 : i32, i32
  }
}

module attributes {stable_mosaic.version = 14 : i64} {
  func.func @_final_body(%arg0: i32, %arg1: memref<2x2000x128xf32, #tpu.memory_space<vmem>>, %arg2: memref<2000x1xf32, #tpu.memory_space<vmem>>, %arg3: memref<128x128xf32, #tpu.memory_space<vmem>>, %arg4: memref<2000x128xf32, #tpu.memory_space<vmem>>) attributes {dimension_semantics = [#tpu.dimension_semantics<arbitrary>], iteration_bounds = array<i64: 5>, scalar_prefetch = 0 : i64, scratch_operands = 0 : i64, tpu.core_type = #tpu.core_type<tc>, window_params = [{transform_indices = @transform_0, window_bounds = array<i64: 2, 2000, 128>}, {transform_indices = @transform_1, window_bounds = array<i64: 2000, 1>}, {pipeline_mode = #tpu.pipeline_mode<synchronous>, transform_indices = @transform_2, window_bounds = array<i64: 128, 128>}, {transform_indices = @transform_3, window_bounds = array<i64: 2000, 128>}]} {
    %get3A = arith.constant 0 : index
    %get3A_0 = arith.constant 0 : index
    %get3A_1 = arith.constant 0 : index
    %get3A_2 = vector.load %arg1[%get3A, %get3A_0, %get3A_1] : memref<2x2000x128xf32, #tpu.memory_space<vmem>>, vector<1x2000x128xf32>
    %get3A_3 = vector.shape_cast %get3A_2 : vector<1x2000x128xf32> to vector<2000x128xf32>
    %get3A_4 = arith.constant 1 : index
    %get3A_5 = arith.constant 0 : index
    %get3A_6 = arith.constant 0 : index
    %get3A_7 = vector.load %arg1[%get3A_4, %get3A_5, %get3A_6] : memref<2x2000x128xf32, #tpu.memory_space<vmem>>, vector<1x2000x128xf32>
    %get3A_8 = vector.shape_cast %get3A_7 : vector<1x2000x128xf32> to vector<2000x128xf32>
    %add3A = arith.addf %get3A_3, %get3A_8 : vector<2000x128xf32>
    %get3A_9 = arith.constant 0 : index
    %get3A_10 = arith.constant 0 : index
    %get3A_11 = vector.load %arg2[%get3A_9, %get3A_10] : memref<2000x1xf32, #tpu.memory_space<vmem>>, vector<2000x1xf32>
    %mul3A = vector.broadcast %get3A_11 : vector<2000x1xf32> to vector<2000x128xf32>
    %mul3A_12 = arith.mulf %add3A, %mul3A : vector<2000x128xf32>
    %get3A_13 = arith.constant 0 : index
    %get3A_14 = arith.constant 0 : index
    %get3A_15 = vector.load %arg3[%get3A_13, %get3A_14] : memref<128x128xf32, #tpu.memory_space<vmem>>, vector<128x128xf32>
    %dot_general3A = arith.constant dense<0.000000e+00> : vector<2000x128xf32>
    %dot_general3A_16 = tpu.matmul %mul3A_12, %get3A_15, %dot_general3A {dimension_numbers = #tpu.dot_dimension_numbers<[1], [1], [0], [0], [0, 0, 1, 0], [], []>, transpose_lhs_hint = false} : vector<2000x128xf32>, vector<128x128xf32>, vector<2000x128xf32> -> vector<2000x128xf32>
    %swap3A = arith.constant 0 : index
    %swap3A_17 = arith.constant 0 : index
    %swap3A_18 = vector.load %arg4[%swap3A, %swap3A_17] : memref<2000x128xf32, #tpu.memory_space<vmem>>, vector<2000x128xf32>
    tpu.vector_store %arg4[%swap3A, %swap3A_17], %dot_general3A_16 {strides = array<i32>} : memref<2000x128xf32, #tpu.memory_space<vmem>>, vector<2000x128xf32>,
    return
  }
  func.func @transform_0(%arg0: i32) -> (i32, i32, i32) {
    %c0_i32 = arith.constant 0 : i32
    %c0_i32_0 = arith.constant 0 : i32
    %c0_i32_1 = arith.constant 0 : i32
    return %c0_i32, %arg0, %c0_i32_0 : i32, i32, i32
  }
  func.func @transform_1(%arg0: i32) -> (i32, i32) {
    %c0_i32 = arith.constant 0 : i32
    %c0_i32_0 = arith.constant 0 : i32
    return %arg0, %c0_i32 : i32, i32
  }
  func.func @transform_2(%arg0: i32) -> (i32, i32) {
    %c0_i32 = arith.constant 0 : i32
    %c0_i32_0 = arith.constant 0 : i32
    %c0_i32_1 = arith.constant 0 : i32
    return %c0_i32, %c0_i32_0 : i32, i32
  }
  func.func @transform_3(%arg0: i32) -> (i32, i32) {
    %c0_i32 = arith.constant 0 : i32
    %c0_i32_0 = arith.constant 0 : i32
    return %arg0, %c0_i32 : i32, i32
  }
}

</mosaic_0001>

<sc_bundles>
// kernel: kernel.10.cloned.1.call-start
scs
__scs_entry_jumppad:
0x0: {  	(pc) =	sbr.rel $0x88, $3  }
0x1: {  	(tag) =	ssettag $0x0;
	lr =	simm.s32 $0x1  }
0x2: {  	[smem:$0x3F9E] =	sst lr;
	_ =	strace $0xD0000000  }
0x3: {  	_ = 	snop  }
0x4: {  	_ = 	snop  }
0x5: {  	_ = 	snop  }
0x6: {  	_ = 	snop  }
0x7: {  	_ = 	snop  }
__scs_overlays_trampoline_lowered:
0x8: {  	[smem:$0x3FAD] =	sst s0  }
0x9: {  	[smem:$0x3FAE] =	sst s1  }
0xa: {  	[smem:$0x3FAF] =	sst s2  }
0xb: {  	[smem:$0x3FB0] =	sst s3  }
0xc: {  	[smem:$0x3FB1] =	sst s4  }
0xd: {  	[smem:$0x3FB2] =	sst s5  }
0xe: {  	[smem:$0x3FB3] =	sst s6  }
0xf: {  	[smem:$0x3FB4] =	sst s7  }
0x10: {  	[smem:$0x3FB5] =	sst s8  }
0x11: {  	[smem:$0x3FB6] =	sst s9;
	s0 =	simm.s32 @!p0 $0x0  }
0x12: {  	s1 =	sld [smem:$0x3F9C];
	s0 =	simm.s32 @p0 $0x1  }
0x13: {  	[smem:$0x3FB7] =	sst s0;
	s0 =	simm.s32 @!p1 $0x0  }
0x14: {  	s2 =	sld [smem:$0x3F9B];
	s0 =	simm.s32 @p1 $0x1  }
0x15: {  	[smem:$0x3FB8] =	sst s0;
	s0 =	simm.s32 @!p2 $0x0  }
0x16: {  	s3 =	sld [smem:$0x3FDB];
	s0 =	simm.s32 @p2 $0x1  }
0x17: {  	s4 =	simm.s32 $0x1BF5;
	[smem:$0x3FBA] =	sst s0  }
0x18: {  	s0 =	sld [smem:$0x3F9D];
	_ =	swait.ge [sflag:s4], $0x0  }
0x19: {  	s7 =	sld [smem:$0x3F9E]  }
0x1a: {  	s8 =	sadd.s32 $0xFFFFE003, lr  }
0x1b: {  	s9 =	sadd.s32 $0xFFFFFEF7, lr;
	s5 =	simm.s32 $0xFFFFFFFF;
	p2 =	slt.u32 s8, $0xFFFFF086  }
0x1c: {  	p1 =	slt.u32 s9, $0xF7A;
	s5 =	simm.s32 @!p2 $0x0  }
0x1d: {  	s5 =	simm.s32 @p1 $0x1;
	p0 =	seq.s32 s7, s2  }
0x1e: {  	s7 =	smul.u32 @!p0 $0xF7A, s2;
	p2 =	seq.s32 @!p0 s5, $0x0  }
0x1f: {  	s9 =	smul.u32 $0xF7A, s1;
	s8 =	simm.s32 @!p0 $0x1BF5;
	p2 =	por !p2, p0  }
0x20: {  	[sflag:s8] =	ssyncset.s32 @!p0 $0xFFFFF086;
	s6 =	sadd.s32 @!p0 s3, s7;
	s7 =	simm.s32 @!p0 $0x108  }
0x21: {  	s3 =	sadd.s32 s3, s9;
	s6 =	sadd.s32 @!p0 $0x88, s6;
	s7 =	simm.s32 @p2 $0x1082  }
0x22: {  	[simem:s7], [sflag:s8] =	dma.local @!p0 [hbm:s6], $0xF7A  }
0x23: {  	s9 =	sor.u32 $0xD0000000, s2;
	s6 =	simm.s32 $0x108;
	_ =	swait.ge @!p0 [sflag:s8], $0x0  }
0x24: {  	s3 =	sadd.s32 $0x88, s3;
	s6 =	simm.s32 @!p1 $0x1082;
	[sflag:s4] =	ssyncset.s32 $0xFFFFF086  }
0x25: {  	[simem:s6], [sflag:s4] =	dma.local [hbm:s3], $0xF7A  }
0x26: {  	[smem:$0x3F9E] =	sst s1;
	(tag) =	ssettag s2;
	_ =	strace s9  }
0x27: {  	s1 =	sld [smem:$0x3FAE]  }
0x28: {  	s2 =	sld [smem:$0x3FAF]  }
0x29: {  	s4 =	sld [smem:$0x3FB1]  }
0x2a: {  	p0 =	seq.s32 s5, $0x0;
	s5 =	sld [smem:$0x3FB2]  }
0x2b: {  	s6 =	sld [smem:$0x3FB3]  }
0x2c: {  	s7 =	sld [smem:$0x3FB4]  }
0x2d: {  	s3 =	simm.s32 $0x108;
	s8 =	sld [smem:$0x3FB5]  }
0x2e: {  	s3 =	simm.s32 @!p0 $0x1082;
	s9 =	sld [smem:$0x3FB6]  }
0x2f: {  	lr =	sadd.s32 s0, s3;
	s0 =	sld [smem:$0x3FAD]  }
0x30: {  	s3 =	sld [smem:$0x3FB0]  }
0x31: {  	[smem:$0x3FB9] =	sst s10  }
0x32: {  	s10 =	sld [smem:$0x3FB7];
	_ =	sdelay $0x3  }
0x33: {  	p0 =	seq.s32 s10, $0x1;
	s10 =	sld [smem:$0x3FB9];
	_ =	sdelay $0x3  }
0x34: {  	[smem:$0x3FB9] =	sst s10  }
0x35: {  	s10 =	sld [smem:$0x3FB8];
	_ =	sdelay $0x3  }
0x36: {  	p1 =	seq.s32 s10, $0x1;
	s10 =	sld [smem:$0x3FB9];
	_ =	sdelay $0x3  }
0x37: {  	[smem:$0x3FB9] =	sst s10  }
0x38: {  	s10 =	sld [smem:$0x3FBA]  }
0x39: {  	_ = 	snop;
	(pc) =	sbr.ind lr, $3  }
0x3a: {  	_ = 	snop  }
0x3b: {  	_ = 	snop  }
0x3c: {  	p2 =	seq.s32 s10, $0x1;
	s10 =	sld [smem:$0x3FB9]  }
0x3d: {  	_ =	shalt  }
0x3e: {  	_ =	shalt  }
0x3f: {  	_ =	shalt  }
0x40: {  	_ =	shalt  }
0x41: {  	_ =	shalt  }
0x42: {  	_ =	shalt  }
0x43: {  	_ =	shalt  }
0x44: {  	_ =	shalt  }
0x45: {  	_ =	shalt  }
0x46: {  	_ =	shalt  }
0x47: {  	_ =	shalt  }
0x48: {  	_ =	shalt  }
0x49: {  	_ =	shalt  }
0x4a: {  	_ =	shalt  }
0x4b: {  	_ =	shalt  }
0x4c: {  	_ =	shalt  }
0x4d: {  	_ =	shalt  }
0x4e: {  	_ =	shalt  }
0x4f: {  	_ =	shalt  }
0x50: {  	_ =	shalt  }
0x51: {  	_ =	shalt  }
0x52: {  	_ =	shalt  }
0x53: {  	_ =	shalt  }
0x54: {  	_ =	shalt  }
0x55: {  	_ =	shalt  }
0x56: {  	_ =	shalt  }
0x57: {  	_ =	shalt  }
0x58: {  	_ =	shalt  }
0x59: {  	_ =	shalt  }
0x5a: {  	_ =	shalt  }
0x5b: {  	_ =	shalt  }
0x5c: {  	_ =	shalt  }
0x5d: {  	_ =	shalt  }
0x5e: {  	_ =	shalt  }
0x5f: {  	_ =	shalt  }
0x60: {  	_ =	shalt  }
0x61: {  	_ =	shalt  }
0x62: {  	_ =	shalt  }
0x63: {  	_ =	shalt  }
0x64: {  	_ =	shalt  }
0x65: {  	_ =	shalt  }
0x66: {  	_ =	shalt  }
0x67: {  	_ =	shalt  }
0x68: {  	_ =	shalt  }
0x69: {  	_ =	shalt  }
0x6a: {  	_ =	shalt  }
0x6b: {  	_ =	shalt  }
0x6c: {  	_ =	shalt  }
0x6d: {  	_ =	shalt  }
0x6e: {  	_ =	shalt  }
0x6f: {  	_ =	shalt  }
0x70: {  	_ =	shalt  }
0x71: {  	_ =	shalt  }
0x72: {  	_ =	shalt  }
0x73: {  	_ =	shalt  }
0x74: {  	_ =	shalt  }
0x75: {  	_ =	shalt  }
0x76: {  	_ =	shalt  }
0x77: {  	_ =	shalt  }
0x78: {  	_ =	shalt  }
0x79: {  	_ =	shalt  }
0x7a: {  	_ =	shalt  }
0x7b: {  	_ =	shalt  }
0x7c: {  	_ =	shalt  }
0x7d: {  	_ =	shalt  }
0x7e: {  	_ =	shalt  }
0x7f: {  	_ =	shalt  }
0x80: {  	_ =	shalt  }
0x81: {  	_ =	shalt  }
0x82: {  	_ =	shalt  }
0x83: {  	_ =	shalt  }
0x84: {  	_ =	shalt  }
0x85: {  	_ =	shalt  }
0x86: {  	_ =	shalt  }
0x87: {  	_ =	shalt  }
.Lfunc_end0:
.L_simem_size_0:
called_computation.1_lowered:
.L_overlay_start_0:
0x88: {  	s2 =	sld [smem:$0x3FD9]  }
0x89: {  	s3 =	sld [smem:$0x3FFE];
	_ =	sdelay $0x1  }
0x8a: {  	s1 =	srdreg.scid  }
0x8b: {  	s0 =	sand.u32 $0x1, s1  }
0x8c: {  	s17 =	sshll.u32 s0, $0xA;
	s2 =	sadd.s32 s3, s2  }
0x8d: {  	s2 =	sadd.s32 s2, s17  }
0x8e: {  	[smem:$0x3FC5] =	sst s2  }
0x8f: {  	_ = 	snop  }
0x90: {  	s2 =	sld [smem:$0x3FD0];
	(tm) =	ssettm $0x1  }
0x91: {  	s18 =	sld [smem:$0x3FFB];
	_ =	sdelay $0x3  }
0x92: {  	_ =	strace s18  }
0x93: {  	s3 =	sld [smem:$0x3FFC];
	_ =	sdelay $0x3  }
0x94: {  	_ =	strace s3  }
0x95: {  	s3 =	sld [smem:$0x3FFD];
	_ =	sdelay $0x3  }
0x96: {  	_ =	strace s3  }
0x97: {  	_ =	strace $0x8FFFFFFF  }
0x98: {  	s19 =	sld [smem:$0x3FDB];
	_ =	sdelay $0x1  }
0x99: {  	s4 =	simm.s32 $_scs_section_size  }
0x9a: {  	s5 =	simm.s32 $_size__tile_overlayer_lowered;
	s6 =	simm.s32 $_tile_overlayer_lowered  }
0x9b: {  	s22 =	simm.s32 $0x1BFF;
	s21 =	sshll.u32 s6, $0x1;
	s3 =	sadd.s32 s4, s19  }
0x9c: {  	s7 =	simm.s32 $0x0;
	s20 =	sshll.u32 s5, $0x1;
	s5 =	sadd.s32 s21, s3  }
0x9d: {  	[timem:s7], [sflag:s22] =	dma.local [hbm:s5], s20  }
0x9e: {  	_ =	swait.ge [sflag:s22], s20  }
0x9f: {  	s4 =	ssub.s32 $0x0, s20;
	[sflag:s22] =	ssyncset.done $0x0  }
0xa0: {  	[sflag:s22] =	ssyncadd.s32 s4;
	_ =	sdelay $0x1  }
0xa1: {  	s23 =	simm.s32 $0x1B8B  }
0xa2: {  	_ =	swait.ge [sflag:s23], $0x1  }
0xa3: {  	[sflag:s23] =	ssyncset.done $0x0  }
0xa4: {  	s25 =	simm.s32 $0x1B8E;
	s24 =	sld [smem:$0x3FFE];
	[sflag:s23] =	ssyncadd.s32 $0xFFFFFFFF  }
0xa5: {  	s26 =	simm.s32 $execute0_lowered;
	[smem:$0x3FD2] =	sst s25  }
0xa6: {  	s5 =	sshll.u32 s26, $0x1;
	_ =	strace $0x80000049;
	[dreg:$0x1] =	wrdreg $0xFFFFFFFF  }
0xa7: {  	s28 =	simm.s32 $_size_execute0_lowered;
	s3 =	sadd.s32 s3, s5;
	[dreg:$0x0] =	wrdreg $0x0  }
0xa8: {  	s5 =	sshll.u32 s28, $0x1;
	[dreg:$0x2] =	wrdreg s3  }
0xa9: {  	[dreg:$0x3] =	wrdreg s5  }
0xaa: {  	[dreg:$0x4] =	wrdreg $0xC0  }
0xab: {  	_ =	task [dreg:s7], $0x5FFFF  }
0xac: {  	[dreg:$0x1] =	wrdreg $0xFFFFFFFF  }
0xad: {  	[dreg:$0x0] =	wrdreg $0x60  }
0xae: {  	[dreg:$0x2] =	wrdreg s2  }
0xaf: {  	[dreg:$0x3] =	wrdreg s24  }
0xb0: {  	[dreg:$0x4] =	wrdreg $0x30000  }
0xb1: {  	[dreg:$0x5] =	wrdreg $0x9  }
0xb2: {  	_ =	task.clear_ibuf [dreg:s7], $0x6FFFF;
	_ =	strace $0x90000049  }
0xb3: {  	s29 =	simm.s32 $0x9;
	_ =	strace $0x8000004B  }
0xb4: {  	_ =	swait.ge [sflag:s29], $0x1  }
0xb5: {  	[sflag:s29] =	ssyncadd.s32 $0xFFFFFFFF  }
0xb6: {  	_ =	strace $0x9000004B  }
0xb7: {  	_ =	sfence  }
0xb8: {  	s30 =	sld [smem:$0x0];
	_ =	sdelay $0x2  }
0xb9: {  	s31 =	sshll.u32 s1, $0xD;
	s1 =	sshrl.u32 s1, $0x2  }
0xba: {  	s3 =	sand.u32 $0x4000, s31;
	s1 =	sadd.s32 s1, s30  }
0xbb: {  	s0 =	sor.u32 s3, s0;
	s1 =	sshll.u32 s1, $0x11  }
0xbc: {  	s0 =	sor.u32 s1, s0  }
0xbd: {  	s0 =	sadd.s32 $0x8F2B, s0  }
0xbe: {  	[sflag:s0] =	ssyncadd.remote.s32 $0x1  }
0xbf: {  	_ =	sfence.sel $0xFFFF  }
0xc0: {  	[dreg:$0x0] =	wrdreg $0xFFFFFFFF;
	(pc) =	sbr.abs _section_cstart, $3  }
0xc1: {  	[dreg:$0x1] =	wrdreg $0xFFFFFFFF  }
0xc2: {  	_ =	task.clear_ibuf [dreg:s7], $0x2FFFF;
	_ =	strace $0x9FFFFFFF  }
0xc3: {  	(tm) =	ssettm $0x7FFFFFFF  }
tec
execute0_lowered:
.L_overlay_start_1:
0x0: {  	(tag) =	ssettag $0x1  }
0x1: {  	s0 =	rddreg [dreg:$0x0]  }
0x2: {  	s1 =	srdreg.scid;
	s2 =	rddreg [dreg:$0x1]  }
0x3: {  	s3 =	rddreg [dreg:$0x2];
	s14 =	stileid.u32  }
0x4: {  	s4 =	simm.s32 $0x0;
	s16 =	simm.s32 $0x17000;
	s17 =	simm.s32 $0x5  }
0x5: {  	s18 =	simm.s32 $0x1B000;
	s19 =	simm.s32 $0x80;
	s21 =	simm.s32 $0x3  }
0x6: {  	s23 =	simm.s32 $0x2;
	s26 =	simm.s32 $0x4;
	s28 =	simm.s32 $0x1  }
0x7: {  	s1 =	sand.u32 $0x1, s1;
	[smem:$0x7FF] =	sst s4;
	s6 =	smul.u32 $0x50000, s14  }
0x8: {  	s20 =	smul.u32 $0x2800, s14;
	s5 =	sshll.u32 s1, $0x4;
	_ =	strace $0x8000004A  }
0x9: {  	s7 =	smul.u32 $0x28000, s1;
	s1 =	ssub.s32 $0x2, s1;
	s12 =	sor.u32 s14, s5  }
0xa: {  	s5 =	sadd.s32 $0xB600, s2;
	s8 =	sshrl.u32 s1, $0x1;
	s6 =	sshrl.u32 s6, $0x2  }
0xb: {  	s13 =	smul.u32 $0x500, s12;
	s1 =	ssub.s32 s1, s8;
	s6 =	sadd.s32 s6, s3  }
0xc: {  	s12 =	smul.u32 $0xA, s12;
	s31 =	sadd.s32 $0x4000, s6;
	s8 =	sadd.s32 $0x8000, s6  }
0xd: {  	s9 =	sadd.s32 $0xC000, s6;
	s10 =	sadd.s32 $0x10000, s6;
	s14 =	smax.u32 s1, $0x1  }
0xe: {  	s1 =	simm.s32 $0x0;
	s11 =	sadd.s32 s13, s2;
	s2 =	sadd.s32 s7, s2  }
0xf: {  	[dreg:$0x4] =	wrdreg s31;
	s13 =	sadd.s32 s5, s13;
	s2 =	sadd.s32 $0x15600, s2  }
0x10: {  	v0 =	vimm.f32 $0.0e+00;
	s11 =	sadd.s32 $0x1600, s11;
	s15 =	sadd.s32 $0x80, s13;
	s24 =	sadd.s32 s20, s2  }
.LBB2_1:
0x11: {  	s2 =	simm.s32 $0x0;
	s20 =	simm.s32 $0x200  }
.LBB2_2:
0x12: {  	p0 =	sne.s32 s20, $0xFE00;
	[tilespmem:s2+$0x1B070] =	vst v0  }
0x13: {  	[tilespmem:s2+$0x17000] =	vst v0  }
0x14: {  	[tilespmem:s2+$0x17010] =	vst v0  }
0x15: {  	[tilespmem:s2+$0x17020] =	vst v0  }
0x16: {  	[tilespmem:s2+$0x17030] =	vst v0  }
0x17: {  	[tilespmem:s2+$0x17040] =	vst v0  }
0x18: {  	[tilespmem:s2+$0x17050] =	vst v0  }
0x19: {  	[tilespmem:s2+$0x17060] =	vst v0  }
0x1a: {  	[tilespmem:s2+$0x17070] =	vst v0  }
0x1b: {  	[tilespmem:s2+$0x1B000] =	vst v0  }
0x1c: {  	[tilespmem:s2+$0x1B010] =	vst v0  }
.Ltmp0:
0x1d: {  	[tilespmem:s2+$0x1B020] =	vst v0;
	(pc) =	sbr.rel @p0 .LBB2_2-.Ltmp0, $4  }
0x1e: {  	[tilespmem:s2+$0x1B030] =	vst v0  }
0x1f: {  	[tilespmem:s2+$0x1B040] =	vst v0  }
0x20: {  	[tilespmem:s2+$0x1B050] =	vst v0  }
0x21: {  	[tilespmem:s2+$0x1B060] =	vst v0;
	s2 =	sshra.s32 s20, $0x2;
	s20 =	sadd.s32 $0x200, s20  }
0x22: {  	[tilespmem:s2+$0x1B070] =	vst v0  }
0x23: {  	[tilespmem:s2+$0x17000] =	vst v0  }
0x24: {  	[tilespmem:s2+$0x17010] =	vst v0  }
0x25: {  	[tilespmem:s2+$0x17020] =	vst v0  }
0x26: {  	[tilespmem:s2+$0x17030] =	vst v0  }
0x27: {  	[tilespmem:s2+$0x17040] =	vst v0  }
0x28: {  	[tilespmem:s2+$0x17050] =	vst v0  }
0x29: {  	[tilespmem:s2+$0x17060] =	vst v0  }
0x2a: {  	[tilespmem:s2+$0x17070] =	vst v0  }
0x2b: {  	[tilespmem:s2+$0x1B000] =	vst v0  }
0x2c: {  	[tilespmem:s2+$0x1B010] =	vst v0  }
0x2d: {  	[tilespmem:s2+$0x1B020] =	vst v0  }
0x2e: {  	[tilespmem:s2+$0x1B030] =	vst v0  }
0x2f: {  	[tilespmem:s2+$0x1B040] =	vst v0  }
0x30: {  	[tilespmem:s2+$0x1B050] =	vst v0  }
0x31: {  	[tilespmem:s2+$0x1B060] =	vst v0  }
0x32: {  	[spmem:s6] =	stream.linear.scatter [tilespmem:s16], [sflag:$0x5], $0x4000, $0x38;
	[tilespmem:$0x1F000] =	vst v63  }
0x33: {  	_ =	swait.ge [sflag:s17], $0x4000  }
0x34: {  	[sflag:s17] =	ssyncset.done $0x0  }
0x35: {  	s25 =	rddreg [dreg:$0x4];
	[sflag:s17] =	ssyncadd.s32 $0xFFFFC000  }
0x36: {  	[spmem:s25] =	stream.linear.scatter [tilespmem:s18], [sflag:$0x5], $0x4000, $0x38;
	[tilespmem:$0x1F000] =	vst v63  }
0x37: {  	_ =	swait.ge [sflag:s17], $0x4000  }
0x38: {  	[sflag:s17] =	ssyncset.done $0x0  }
0x39: {  	[sflag:s17] =	ssyncadd.s32 $0xFFFFC000  }
0x3a: {  	[spmem:s8] =	stream.linear.scatter [tilespmem:s16], [sflag:$0x5], $0x4000, $0x38;
	[tilespmem:$0x1F000] =	vst v63  }
0x3b: {  	_ =	swait.ge [sflag:s17], $0x4000  }
0x3c: {  	[sflag:s17] =	ssyncset.done $0x0  }
0x3d: {  	[sflag:s17] =	ssyncadd.s32 $0xFFFFC000  }
0x3e: {  	[spmem:s9] =	stream.linear.scatter [tilespmem:s18], [sflag:$0x5], $0x4000, $0x38;
	[tilespmem:$0x1F000] =	vst v63  }
0x3f: {  	_ =	swait.ge [sflag:s17], $0x4000  }
0x40: {  	[sflag:s17] =	ssyncset.done $0x0  }
0x41: {  	[sflag:s17] =	ssyncadd.s32 $0xFFFFC000  }
0x42: {  	[spmem:s10] =	stream.linear.scatter [tilespmem:s16], [sflag:$0x5], $0x4000, $0x38;
	[tilespmem:$0x1F000] =	vst v63  }
0x43: {  	_ =	swait.ge [sflag:s17], $0x4000  }
0x44: {  	[sflag:s17] =	ssyncset.done $0x0  }
0x45: {  	s20 =	simm.s32 $0x800;
	[sflag:s17] =	ssyncadd.s32 $0xFFFFC000  }
0x46: {  	[tilespmem:s20], [sflag:$0x5] =	stream.linear.gather [hbm4b:s11+s4], $0x2800, $0x38;
	[tilespmem:$0x1F000] =	vst v63  }
0x47: {  	_ =	swait.ge [sflag:s17], $0x2800  }
0x48: {  	[sflag:s17] =	ssyncset.done $0x0  }
0x49: {  	[sflag:s17] =	ssyncadd.s32 $0xFFFFD800  }
0x4a: {  	[tilespmem:s4], [sflag:$0x5] =	stream.linear.gather [hbm4b:s13+s4], $0x400, $0x38;
	[tilespmem:$0x1F000] =	vst v63  }
0x4b: {  	_ =	swait.ge [sflag:s17], $0x400  }
0x4c: {  	[sflag:s17] =	ssyncset.done $0x0  }
0x4d: {  	[sflag:s17] =	ssyncadd.s32 $0xFFFFFC00  }
0x4e: {  	[bflag:$0x0] =	sbarrier.arrive $0xFFFF  }
0x4f: {  	[tilespmem:s16], [sflag:$0x1] =	stream.indirect.gather [hbm4b:s0+s19], $0x80, s4, s19, $0xb8;
	[tilespmem:$0x1F000] =	vst v63  }
0x50: {  	s30 =	simm.s32 $0x400  }
0x51: {  	[tilespmem:s30], [sflag:$0x5] =	stream.linear.gather [hbm4b:s15+s4], $0x400, $0x38;
	[tilespmem:$0x1F000] =	vst v63  }
0x52: {  	_ =	swait.ge [sflag:s17], $0x400  }
0x53: {  	[sflag:s17] =	ssyncset.done $0x0  }
0x54: {  	s31 =	simm.s32 $0x1;
	[sflag:s17] =	ssyncadd.s32 $0xFFFFFC00  }
0x55: {  	[tilespmem:s18], [sflag:$0x2] =	stream.indirect.gather [hbm4b:s0+s19], $0x80, s19, s19, $0xb8;
	[tilespmem:$0x1F000] =	vst v63  }
0x56: {  	_ =	swait.ge [sflag:s31], $0x4000  }
0x57: {  	[sflag:s31] =	ssyncset.done $0x0  }
0x58: {  	[sflag:s31] =	ssyncadd.s32 $0xFFFFC000  }
0x59: {  	[spmem:s3] =	stream.indirect.scatter.add.f32 [tilespmem:s16], [sflag:$0x3], $0x80, s20, s19, $0xb8;
	[tilespmem:$0x1F000] =	vst v63  }
0x5a: {  	p0 =	por $0x0, $0x0;
	s2 =	sand.u32 $0x3, s31;
	_ =	swait.ge [sflag:s21], $0x4000  }
0x5b: {  	p1 =	sne.s32 @!p0 s2, $0x0;
	[sflag:s21] =	ssyncset.done $0x0  }
0x5c: {  	s7 =	simm.s32 $0x100;
	p0 =	por p1, p0;
	[sflag:s21] =	ssyncadd.s32 $0xFFFFC000  }
0x5d: {  	[tilespmem:s16], [sflag:$0x1] =	stream.indirect.gather [hbm4b:s0+s19], $0x80, s7, s19, $0xb8;
	[tilespmem:$0x1F000] =	vst v63  }
0x5e: {  	s22 =	simm.s32 $0x880;
	s2 =	sadd.s32 @!p0 $0x1, s12;
	_ =	swait.ge [sflag:s23], $0x4000  }
0x5f: {  	s29 =	simm.s32 @!p0 $0x0;
	s2 =	sshll.u32 @!p0 s2, $0x7;
	[sflag:s23] =	ssyncset.done $0x0  }
0x60: {  	s25 =	simm.s32 @!p0 $0x400;
	s2 =	sand.u32 @!p0 $0x1FFFFF80, s2;
	[sflag:s23] =	ssyncadd.s32 $0xFFFFC000  }
0x61: {  	[spmem:s3] =	stream.indirect.scatter.add.f32 [tilespmem:s18], [sflag:$0x4], $0x80, s22, s19, $0xb8;
	[tilespmem:$0x1F000] =	vst v63  }
0x62: {  	s25 =	sand.u32 @!p0 $0x400, s25;
	s2 =	sadd.s32 @!p0 s5, s2;
	s22 =	simm.s32 @!p0 $0x5  }
0x63: {  	[tilespmem:s25], [sflag:$0x5] =	stream.linear.gather @!p0 [hbm4b:s2+s29], $0x400, $0x38;
	[tilespmem:$0x1F000] =	vst v63  }
0x64: {  	_ =	swait.ge @!p0 [sflag:s22], $0x400  }
0x65: {  	[sflag:s22] =	ssyncset.done @!p0 $0x0  }
0x66: {  	[sflag:s22] =	ssyncadd.s32 @!p0 $0xFFFFFC00  }
0x67: {  	s25 =	simm.s32 $0x600;
	_ =	swait.ge [sflag:s26], $0x4000  }
0x68: {  	s2 =	sand.u32 $0x1E00, s25;
	[sflag:s26] =	ssyncset.done $0x0  }
0x69: {  	s30 =	simm.s32 $0x2;
	s2 =	sshrl.u32 s2, $0x2;
	[sflag:s26] =	ssyncadd.s32 $0xFFFFC000  }
0x6a: {  	[tilespmem:s18], [sflag:$0x2] =	stream.indirect.gather [hbm4b:s0+s19], $0x80, s2, s19, $0xb8;
	[tilespmem:$0x1F000] =	vst v63  }
0x6b: {  	s31 =	simm.s32 $0x900;
	p0 =	por $0x0, $0x0;
	s2 =	sand.u32 $0x3, s30  }
0x6c: {  	s25 =	simm.s32 $0x200;
	_ =	swait.ge [sflag:s28], $0x4000;
	p1 =	sne.s32 @!p0 s2, $0x0  }
0x6d: {  	s22 =	simm.s32 $0x3;
	[sflag:s28] =	ssyncset.done $0x0;
	p0 =	por p1, p0  }
0x6e: {  	s2 =	sand.u32 $0x1C00, s20;
	[sflag:s28] =	ssyncadd.s32 $0xFFFFC000;
	s29 =	simm.s32 @!p0 $0x0  }
0x6f: {  	[spmem:s3] =	stream.indirect.scatter.add.f32 [tilespmem:s16], [sflag:$0x3], $0x80, s31, s19, $0xb8;
	[tilespmem:$0x1F000] =	vst v63  }
.LBB2_4:
0x70: {  	_ =	swait.ge [sflag:s21], $0x4000  }
0x71: {  	s20 =	sadd.s32 $0x400, s20;
	s30 =	smov.u32 s22;
	s22 =	sadd.s32 $0x1, s22  }
0x72: {  	p1 =	sne.s32 s22, $0x27;
	s31 =	sand.u32 $0x1C00, s20;
	[sflag:s21] =	ssyncset.done $0x0  }
0x73: {  	s29 =	sadd.s32 @!p0 $0x1, s29;
	s2 =	sshrl.u32 s2, $0x2;
	[sflag:s21] =	ssyncadd.s32 $0xFFFFC000  }
0x74: {  	[tilespmem:s16], [sflag:$0x1] =	stream.indirect.gather [hbm4b:s0+s19], $0x80, s2, s19, $0xb8;
	[tilespmem:$0x1F000] =	vst v63  }
0x75: {  	s25 =	sadd.s32 $0x780, s25;
	s2 =	sadd.s32 @!p0 s12, s29;
	_ =	swait.ge [sflag:s23], $0x4000  }
0x76: {  	s7 =	simm.s32 @!p0 $0x5;
	s2 =	sshll.u32 @!p0 s2, $0x7;
	[sflag:s23] =	ssyncset.done $0x0  }
0x77: {  	s29 =	sshll.u32 @!p0 s29, $0xA;
	s2 =	sand.u32 @!p0 $0x1FFFFF80, s2;
	[sflag:s23] =	ssyncadd.s32 $0xFFFFC000  }
0x78: {  	[spmem:s3] =	stream.indirect.scatter.add.f32 [tilespmem:s18], [sflag:$0x4], $0x80, s25, s19, $0xb8;
	[tilespmem:$0x1F000] =	vst v63  }
0x79: {  	s2 =	sadd.s32 @!p0 s5, s2;
	s25 =	sand.u32 @!p0 $0x400, s29;
	s29 =	simm.s32 @!p0 $0x0  }
0x7a: {  	[tilespmem:s25], [sflag:$0x5] =	stream.linear.gather @!p0 [hbm4b:s2+s29], $0x400, $0x38;
	[tilespmem:$0x1F000] =	vst v63  }
0x7b: {  	s2 =	smov.u32 s31;
	_ =	swait.ge @!p0 [sflag:s7], $0x400  }
0x7c: {  	[sflag:s7] =	ssyncset.done @!p0 $0x0  }
0x7d: {  	[sflag:s7] =	ssyncadd.s32 @!p0 $0xFFFFFC00  }
0x7e: {  	s7 =	sadd.s32 $0xFFFFFE00, s20;
	_ =	swait.ge [sflag:s26], $0x4000  }
0x7f: {  	s7 =	sand.u32 $0x1E00, s7;
	[sflag:s26] =	ssyncset.done $0x0  }
0x80: {  	s25 =	sand.u32 $0x3, s30;
	p0 =	sgt.u32 s30, $0x23;
	[sflag:s26] =	ssyncadd.s32 $0xFFFFC000  }
0x81: {  	p2 =	sne.s32 @!p0 s25, $0x0;
	s7 =	sshrl.u32 s7, $0x2  }
0x82: {  	[tilespmem:s18], [sflag:$0x2] =	stream.indirect.gather [hbm4b:s0+s19], $0x80, s7, s19, $0xb8;
	[tilespmem:$0x1F000] =	vst v63  }
.Ltmp1:
0x83: {  	_ = 	snop;
	(pc) =	sbr.rel @p1 .LBB2_4-.Ltmp1, $4  }
0x84: {  	p0 =	por p2, p0;
	_ =	swait.ge [sflag:s28], $0x4000  }
0x85: {  	s25 =	sshra.s32 s20, $0x2;
	s29 =	sshrl.u32 @!p0 s30, $0x2;
	[sflag:s28] =	ssyncset.done $0x0  }
0x86: {  	s7 =	sadd.s32 $0x700, s25;
	[sflag:s28] =	ssyncadd.s32 $0xFFFFC000  }
0x87: {  	[spmem:s3] =	stream.indirect.scatter.add.f32 [tilespmem:s16], [sflag:$0x3], $0x80, s7, s19, $0xb8;
	[tilespmem:$0x1F000] =	vst v63  }
0x88: {  	_ =	swait.ge [sflag:s21], $0x4000  }
0x89: {  	[sflag:s21] =	ssyncset.done $0x0  }
0x8a: {  	s7 =	sadd.s32 @!p0 $0x1, s29;
	s2 =	sshrl.u32 s2, $0x2;
	[sflag:s21] =	ssyncadd.s32 $0xFFFFC000  }
0x8b: {  	[tilespmem:s16], [sflag:$0x1] =	stream.indirect.gather [hbm4b:s0+s19], $0x80, s2, s19, $0xb8;
	[tilespmem:$0x1F000] =	vst v63  }
0x8c: {  	s22 =	sadd.s32 $0x780, s25;
	s2 =	sadd.s32 @!p0 s12, s7;
	_ =	swait.ge [sflag:s23], $0x4000  }
0x8d: {  	s25 =	simm.s32 @!p0 $0x5;
	s2 =	sshll.u32 @!p0 s2, $0x7;
	[sflag:s23] =	ssyncset.done $0x0  }
0x8e: {  	s7 =	sshll.u32 @!p0 s7, $0xA;
	s2 =	sand.u32 @!p0 $0x1FFFFF80, s2;
	[sflag:s23] =	ssyncadd.s32 $0xFFFFC000  }
0x8f: {  	[spmem:s3] =	stream.indirect.scatter.add.f32 [tilespmem:s18], [sflag:$0x4], $0x80, s22, s19, $0xb8;
	[tilespmem:$0x1F000] =	vst v63  }
0x90: {  	s7 =	sand.u32 @!p0 $0x400, s7;
	s2 =	sadd.s32 @!p0 s5, s2;
	s22 =	simm.s32 @!p0 $0x0  }
0x91: {  	[tilespmem:s7], [sflag:$0x5] =	stream.linear.gather @!p0 [hbm4b:s2+s22], $0x400, $0x38;
	[tilespmem:$0x1F000] =	vst v63  }
0x92: {  	_ =	swait.ge @!p0 [sflag:s25], $0x400  }
0x93: {  	[sflag:s25] =	ssyncset.done @!p0 $0x0  }
0x94: {  	s22 =	sadd.s32 $0x400, s20;
	[sflag:s25] =	ssyncadd.s32 @!p0 $0xFFFFFC00  }
0x95: {  	s29 =	sadd.s32 $0xFFFFFE00, s22;
	_ =	swait.ge [sflag:s26], $0x4000  }
0x96: {  	s7 =	sand.u32 $0x1E00, s29;
	[sflag:s26] =	ssyncset.done $0x0  }
0x97: {  	s7 =	sshrl.u32 s7, $0x2;
	[sflag:s26] =	ssyncadd.s32 $0xFFFFC000  }
0x98: {  	[tilespmem:s18], [sflag:$0x2] =	stream.indirect.gather [hbm4b:s0+s19], $0x80, s7, s19, $0xb8;
	[tilespmem:$0x1F000] =	vst v63  }
0x99: {  	_ =	swait.ge [sflag:s28], $0x4000  }
0x9a: {  	s30 =	sshra.s32 s22, $0x2;
	[sflag:s28] =	ssyncset.done $0x0  }
0x9b: {  	s31 =	sadd.s32 $0x700, s30;
	[sflag:s28] =	ssyncadd.s32 $0xFFFFC000  }
0x9c: {  	[spmem:s3] =	stream.indirect.scatter.add.f32 [tilespmem:s16], [sflag:$0x3], $0x80, s31, s19, $0xb8;
	[tilespmem:$0x1F000] =	vst v63  }
0x9d: {  	_ =	swait.ge [sflag:s21], $0x4000  }
0x9e: {  	s2 =	sand.u32 $0x1C00, s22;
	[sflag:s21] =	ssyncset.done $0x0  }
0x9f: {  	s2 =	sshrl.u32 s2, $0x2;
	[sflag:s21] =	ssyncadd.s32 $0xFFFFC000  }
0xa0: {  	[tilespmem:s16], [sflag:$0x1] =	stream.indirect.gather [hbm4b:s0+s19], $0x80, s2, s19, $0xb8;
	[tilespmem:$0x1F000] =	vst v63  }
0xa1: {  	_ =	swait.ge [sflag:s23], $0x4000  }
0xa2: {  	[sflag:s23] =	ssyncset.done $0x0  }
0xa3: {  	s20 =	sadd.s32 $0x780, s30;
	[sflag:s23] =	ssyncadd.s32 $0xFFFFC000  }
0xa4: {  	[spmem:s3] =	stream.indirect.scatter.add.f32 [tilespmem:s18], [sflag:$0x4], $0x80, s20, s19, $0xb8;
	[tilespmem:$0x1F000] =	vst v63  }
0xa5: {  	_ =	swait.ge [sflag:s26], $0x4000  }
0xa6: {  	[sflag:s26] =	ssyncset.done $0x0  }
0xa7: {  	s22 =	simm.s32 $0x780;
	[sflag:s26] =	ssyncadd.s32 $0xFFFFC000  }
0xa8: {  	[tilespmem:s18], [sflag:$0x2] =	stream.indirect.gather [hbm4b:s0+s19], $0x80, s22, s19, $0xb8;
	[tilespmem:$0x1F000] =	vst v63  }
0xa9: {  	_ =	swait.ge [sflag:s28], $0x4000  }
0xaa: {  	[sflag:s28] =	ssyncset.done $0x0  }
0xab: {  	s25 =	simm.s32 $0x2F00;
	[sflag:s28] =	ssyncadd.s32 $0xFFFFC000  }
0xac: {  	[spmem:s3] =	stream.indirect.scatter.add.f32 [tilespmem:s16], [sflag:$0x3], $0x80, s25, s19, $0xb8;
	[tilespmem:$0x1F000] =	vst v63  }
0xad: {  	_ =	swait.ge [sflag:s21], $0x4000  }
0xae: {  	[sflag:s21] =	ssyncset.done $0x0  }
0xaf: {  	[sflag:s21] =	ssyncadd.s32 $0xFFFFC000  }
0xb0: {  	_ =	swait.ge [sflag:s23], $0x4000  }
0xb1: {  	[sflag:s23] =	ssyncset.done $0x0  }
0xb2: {  	s29 =	simm.s32 $0x2F80;
	[sflag:s23] =	ssyncadd.s32 $0xFFFFC000  }
0xb3: {  	[spmem:s3] =	stream.indirect.scatter.add.f32 [tilespmem:s18], [sflag:$0x4], $0x80, s29, s19, $0xb8;
	[tilespmem:$0x1F000] =	vst v63  }
0xb4: {  	s1 =	sadd.s32 $0x1, s1;
	_ =	swait.ge [sflag:s26], $0x4000  }
0xb5: {  	s30 =	stileid.u32;
	p0 =	sne.s32 s1, s14;
	[sflag:s26] =	ssyncset.done $0x0  }
0xb6: {  	s31 =	sshrl.u32 s6, $0x3;
	s2 =	sshll.u32 s30, $0x6;
	[sflag:s26] =	ssyncadd.s32 $0xFFFFC000  }
.Ltmp2:
0xb7: {  	s2 =	sor.u32 $0x1C05, s2;
	[bflag:$0x0] =	sbarrier.arrive $0xFFFF;
	(pc) =	sbr.rel @p0 .LBB2_1-.Ltmp2, $4  }
0xb8: {  	[hbm:s24], [sflag:s2] =	dma.local [spmem:s31], $0x2800  }
0xb9: {  	_ =	swait.ge [sflag:s17], $0x2800  }
0xba: {  	[sflag:s17] =	ssyncset.done $0x0  }
0xbb: {  	[sflag:s17] =	ssyncadd.s32 $0xFFFFD800  }
0xbc: {  	_ =	sfence.sel $0x180000  }
0xbd: {  	[bflag:$0x0] =	sbarrier.arrive $0xFFFF  }
0xbe: {  	_ =	strace $0x9000004A  }
0xbf: {  	s0 =	stileid.u32;
	[bflag:$0x2] =	sbarrier.arrive $0xFFFF  }
0xc0: {  	p0 =	sne.s32 s0, $0x0;
	s0 =	rddreg [dreg:$0x3]  }
0xc1: {  	s0 =	sadd.s32 @!p0 $0x100000, s0  }
0xc2: {  	[sflag:s0] =	ssyncadd.tile.s32 @!p0 $0x1;
	_ =	shalt  }
.Lfunc_end2:
_tile_overlayer_lowered:
.L_overlay_start_2:
0xc3: {  	(tag) =	ssettag $0x2  }
0xc4: {  	s0 =	rddreg [dreg:$0x0];
	s2 =	stileid.u32  }
0xc5: {  	s1 =	rddreg [dreg:$0x1];
	p0 =	sne.s32 s2, $0x0  }
0xc6: {  	s3 =	rddreg [dreg:$0x2];
	[bflag:$0x3] =	sbarrier.arrive $0xFFFF;
	s2 =	simm.s32 @!p0 $0x1C05  }
0xc7: {  	[timem:s3], [sflag:s2] =	dma.local @!p0 [hbm:s0], s1  }
0xc8: {  	s0 =	simm.s32 @!p0 $0x5  }
0xc9: {  	_ =	swait.ge @!p0 [sflag:s0], s1  }
0xca: {  	s1 =	ssub.s32 @!p0 $0x0, s1;
	[sflag:s0] =	ssyncset.done @!p0 $0x0  }
0xcb: {  	[sflag:s0] =	ssyncadd.s32 @!p0 s1  }
0xcc: {  	[bflag:$0x3] =	sbarrier.arrive $0xFFFF  }
0xcd: {  	_ =	shalt  }

// kernel: kernel.7.cloned.1.call-start
scs
__scs_entry_jumppad:
0x0: {  	(pc) =	sbr.rel $0x88, $3  }
0x1: {  	(tag) =	ssettag $0x0;
	lr =	simm.s32 $0x1  }
0x2: {  	[smem:$0x3F9E] =	sst lr;
	_ =	strace $0xD0000000  }
0x3: {  	_ = 	snop  }
0x4: {  	_ = 	snop  }
0x5: {  	_ = 	snop  }
0x6: {  	_ = 	snop  }
0x7: {  	_ = 	snop  }
__scs_overlays_trampoline_lowered:
0x8: {  	[smem:$0x3FAD] =	sst s0  }
0x9: {  	[smem:$0x3FAE] =	sst s1  }
0xa: {  	[smem:$0x3FAF] =	sst s2  }
0xb: {  	[smem:$0x3FB0] =	sst s3  }
0xc: {  	[smem:$0x3FB1] =	sst s4  }
0xd: {  	[smem:$0x3FB2] =	sst s5  }
0xe: {  	[smem:$0x3FB3] =	sst s6  }
0xf: {  	[smem:$0x3FB4] =	sst s7  }
0x10: {  	[smem:$0x3FB5] =	sst s8  }
0x11: {  	[smem:$0x3FB6] =	sst s9;
	s0 =	simm.s32 @!p0 $0x0  }
0x12: {  	s1 =	sld [smem:$0x3F9C];
	s0 =	simm.s32 @p0 $0x1  }
0x13: {  	[smem:$0x3FB7] =	sst s0;
	s0 =	simm.s32 @!p1 $0x0  }
0x14: {  	s2 =	sld [smem:$0x3F9B];
	s0 =	simm.s32 @p1 $0x1  }
0x15: {  	[smem:$0x3FB8] =	sst s0;
	s0 =	simm.s32 @!p2 $0x0  }
0x16: {  	s3 =	sld [smem:$0x3FDB];
	s0 =	simm.s32 @p2 $0x1  }
0x17: {  	s4 =	simm.s32 $0x1BF5;
	[smem:$0x3FBA] =	sst s0  }
0x18: {  	s0 =	sld [smem:$0x3F9D];
	_ =	swait.ge [sflag:s4], $0x0  }
0x19: {  	s7 =	sld [smem:$0x3F9E]  }
0x1a: {  	s8 =	sadd.s32 $0xFFFFE003, lr  }
0x1b: {  	s9 =	sadd.s32 $0xFFFFFEF7, lr;
	s5 =	simm.s32 $0xFFFFFFFF;
	p2 =	slt.u32 s8, $0xFFFFF086  }
0x1c: {  	p1 =	slt.u32 s9, $0xF7A;
	s5 =	simm.s32 @!p2 $0x0  }
0x1d: {  	s5 =	simm.s32 @p1 $0x1;
	p0 =	seq.s32 s7, s2  }
0x1e: {  	s7 =	smul.u32 @!p0 $0xF7A, s2;
	p2 =	seq.s32 @!p0 s5, $0x0  }
0x1f: {  	s9 =	smul.u32 $0xF7A, s1;
	s8 =	simm.s32 @!p0 $0x1BF5;
	p2 =	por !p2, p0  }
0x20: {  	[sflag:s8] =	ssyncset.s32 @!p0 $0xFFFFF086;
	s6 =	sadd.s32 @!p0 s3, s7;
	s7 =	simm.s32 @!p0 $0x108  }
0x21: {  	s3 =	sadd.s32 s3, s9;
	s6 =	sadd.s32 @!p0 $0x88, s6;
	s7 =	simm.s32 @p2 $0x1082  }
0x22: {  	[simem:s7], [sflag:s8] =	dma.local @!p0 [hbm:s6], $0xF7A  }
0x23: {  	s9 =	sor.u32 $0xD0000000, s2;
	s6 =	simm.s32 $0x108;
	_ =	swait.ge @!p0 [sflag:s8], $0x0  }
0x24: {  	s3 =	sadd.s32 $0x88, s3;
	s6 =	simm.s32 @!p1 $0x1082;
	[sflag:s4] =	ssyncset.s32 $0xFFFFF086  }
0x25: {  	[simem:s6], [sflag:s4] =	dma.local [hbm:s3], $0xF7A  }
0x26: {  	[smem:$0x3F9E] =	sst s1;
	(tag) =	ssettag s2;
	_ =	strace s9  }
0x27: {  	s1 =	sld [smem:$0x3FAE]  }
0x28: {  	s2 =	sld [smem:$0x3FAF]  }
0x29: {  	s4 =	sld [smem:$0x3FB1]  }
0x2a: {  	p0 =	seq.s32 s5, $0x0;
	s5 =	sld [smem:$0x3FB2]  }
0x2b: {  	s6 =	sld [smem:$0x3FB3]  }
0x2c: {  	s7 =	sld [smem:$0x3FB4]  }
0x2d: {  	s3 =	simm.s32 $0x108;
	s8 =	sld [smem:$0x3FB5]  }
0x2e: {  	s3 =	simm.s32 @!p0 $0x1082;
	s9 =	sld [smem:$0x3FB6]  }
0x2f: {  	lr =	sadd.s32 s0, s3;
	s0 =	sld [smem:$0x3FAD]  }
0x30: {  	s3 =	sld [smem:$0x3FB0]  }
0x31: {  	[smem:$0x3FB9] =	sst s10  }
0x32: {  	s10 =	sld [smem:$0x3FB7];
	_ =	sdelay $0x3  }
0x33: {  	p0 =	seq.s32 s10, $0x1;
	s10 =	sld [smem:$0x3FB9];
	_ =	sdelay $0x3  }
0x34: {  	[smem:$0x3FB9] =	sst s10  }
0x35: {  	s10 =	sld [smem:$0x3FB8];
	_ =	sdelay $0x3  }
0x36: {  	p1 =	seq.s32 s10, $0x1;
	s10 =	sld [smem:$0x3FB9];
	_ =	sdelay $0x3  }
0x37: {  	[smem:$0x3FB9] =	sst s10  }
0x38: {  	s10 =	sld [smem:$0x3FBA]  }
0x39: {  	_ = 	snop;
	(pc) =	sbr.ind lr, $3  }
0x3a: {  	_ = 	snop  }
0x3b: {  	_ = 	snop  }
0x3c: {  	p2 =	seq.s32 s10, $0x1;
	s10 =	sld [smem:$0x3FB9]  }
0x3d: {  	_ =	shalt  }
0x3e: {  	_ =	shalt  }
0x3f: {  	_ =	shalt  }
0x40: {  	_ =	shalt  }
0x41: {  	_ =	shalt  }
0x42: {  	_ =	shalt  }
0x43: {  	_ =	shalt  }
0x44: {  	_ =	shalt  }
0x45: {  	_ =	shalt  }
0x46: {  	_ =	shalt  }
0x47: {  	_ =	shalt  }
0x48: {  	_ =	shalt  }
0x49: {  	_ =	shalt  }
0x4a: {  	_ =	shalt  }
0x4b: {  	_ =	shalt  }
0x4c: {  	_ =	shalt  }
0x4d: {  	_ =	shalt  }
0x4e: {  	_ =	shalt  }
0x4f: {  	_ =	shalt  }
0x50: {  	_ =	shalt  }
0x51: {  	_ =	shalt  }
0x52: {  	_ =	shalt  }
0x53: {  	_ =	shalt  }
0x54: {  	_ =	shalt  }
0x55: {  	_ =	shalt  }
0x56: {  	_ =	shalt  }
0x57: {  	_ =	shalt  }
0x58: {  	_ =	shalt  }
0x59: {  	_ =	shalt  }
0x5a: {  	_ =	shalt  }
0x5b: {  	_ =	shalt  }
0x5c: {  	_ =	shalt  }
0x5d: {  	_ =	shalt  }
0x5e: {  	_ =	shalt  }
0x5f: {  	_ =	shalt  }
0x60: {  	_ =	shalt  }
0x61: {  	_ =	shalt  }
0x62: {  	_ =	shalt  }
0x63: {  	_ =	shalt  }
0x64: {  	_ =	shalt  }
0x65: {  	_ =	shalt  }
0x66: {  	_ =	shalt  }
0x67: {  	_ =	shalt  }
0x68: {  	_ =	shalt  }
0x69: {  	_ =	shalt  }
0x6a: {  	_ =	shalt  }
0x6b: {  	_ =	shalt  }
0x6c: {  	_ =	shalt  }
0x6d: {  	_ =	shalt  }
0x6e: {  	_ =	shalt  }
0x6f: {  	_ =	shalt  }
0x70: {  	_ =	shalt  }
0x71: {  	_ =	shalt  }
0x72: {  	_ =	shalt  }
0x73: {  	_ =	shalt  }
0x74: {  	_ =	shalt  }
0x75: {  	_ =	shalt  }
0x76: {  	_ =	shalt  }
0x77: {  	_ =	shalt  }
0x78: {  	_ =	shalt  }
0x79: {  	_ =	shalt  }
0x7a: {  	_ =	shalt  }
0x7b: {  	_ =	shalt  }
0x7c: {  	_ =	shalt  }
0x7d: {  	_ =	shalt  }
0x7e: {  	_ =	shalt  }
0x7f: {  	_ =	shalt  }
0x80: {  	_ =	shalt  }
0x81: {  	_ =	shalt  }
0x82: {  	_ =	shalt  }
0x83: {  	_ =	shalt  }
0x84: {  	_ =	shalt  }
0x85: {  	_ =	shalt  }
0x86: {  	_ =	shalt  }
0x87: {  	_ =	shalt  }
.Lfunc_end0:
.L_simem_size_0:
called_computation_lowered:
.L_overlay_start_0:
0x88: {  	s2 =	sld [smem:$0x3FD9]  }
0x89: {  	s3 =	sld [smem:$0x3FFE];
	_ =	sdelay $0x1  }
0x8a: {  	s1 =	srdreg.scid  }
0x8b: {  	s0 =	sand.u32 $0x1, s1  }
0x8c: {  	s17 =	sshll.u32 s0, $0xA;
	s2 =	sadd.s32 s3, s2  }
0x8d: {  	s2 =	sadd.s32 s2, s17  }
0x8e: {  	[smem:$0x3FC5] =	sst s2  }
0x8f: {  	_ = 	snop  }
0x90: {  	s2 =	sld [smem:$0x3FD0];
	(tm) =	ssettm $0x1  }
0x91: {  	s18 =	sld [smem:$0x3FFB];
	_ =	sdelay $0x3  }
0x92: {  	_ =	strace s18  }
0x93: {  	s3 =	sld [smem:$0x3FFC];
	_ =	sdelay $0x3  }
0x94: {  	_ =	strace s3  }
0x95: {  	s3 =	sld [smem:$0x3FFD];
	_ =	sdelay $0x3  }
0x96: {  	_ =	strace s3  }
0x97: {  	_ =	strace $0x8FFFFFFF  }
0x98: {  	s19 =	sld [smem:$0x3FDB];
	_ =	sdelay $0x1  }
0x99: {  	s4 =	simm.s32 $_scs_section_size  }
0x9a: {  	s5 =	simm.s32 $_size__tile_overlayer_lowered;
	s6 =	simm.s32 $_tile_overlayer_lowered  }
0x9b: {  	s22 =	simm.s32 $0x1BFF;
	s21 =	sshll.u32 s6, $0x1;
	s3 =	sadd.s32 s4, s19  }
0x9c: {  	s7 =	simm.s32 $0x0;
	s20 =	sshll.u32 s5, $0x1;
	s5 =	sadd.s32 s21, s3  }
0x9d: {  	[timem:s7], [sflag:s22] =	dma.local [hbm:s5], s20  }
0x9e: {  	_ =	swait.ge [sflag:s22], s20  }
0x9f: {  	s4 =	ssub.s32 $0x0, s20;
	[sflag:s22] =	ssyncset.done $0x0  }
0xa0: {  	[sflag:s22] =	ssyncadd.s32 s4;
	_ =	sdelay $0x1  }
0xa1: {  	s23 =	simm.s32 $0x1B8B  }
0xa2: {  	_ =	swait.ge [sflag:s23], $0x1  }
0xa3: {  	[sflag:s23] =	ssyncset.done $0x0  }
0xa4: {  	s25 =	simm.s32 $0x1B8E;
	s24 =	sld [smem:$0x3FFE];
	[sflag:s23] =	ssyncadd.s32 $0xFFFFFFFF  }
0xa5: {  	s26 =	simm.s32 $execute0_lowered;
	[smem:$0x3FD2] =	sst s25  }
0xa6: {  	s5 =	sshll.u32 s26, $0x1;
	_ =	strace $0x80000046;
	[dreg:$0x1] =	wrdreg $0xFFFFFFFF  }
0xa7: {  	s28 =	simm.s32 $_size_execute0_lowered;
	s3 =	sadd.s32 s3, s5;
	[dreg:$0x0] =	wrdreg $0x0  }
0xa8: {  	s5 =	sshll.u32 s28, $0x1;
	[dreg:$0x2] =	wrdreg s3  }
0xa9: {  	[dreg:$0x3] =	wrdreg s5  }
0xaa: {  	[dreg:$0x4] =	wrdreg $0xC0  }
0xab: {  	_ =	task [dreg:s7], $0x5FFFF  }
0xac: {  	[dreg:$0x1] =	wrdreg $0xFFFFFFFF  }
0xad: {  	[dreg:$0x0] =	wrdreg $0x60  }
0xae: {  	[dreg:$0x2] =	wrdreg s24  }
0xaf: {  	[dreg:$0x3] =	wrdreg s2  }
0xb0: {  	[dreg:$0x4] =	wrdreg $0x2B000  }
0xb1: {  	[dreg:$0x5] =	wrdreg $0x9  }
0xb2: {  	_ =	task.clear_ibuf [dreg:s7], $0x6FFFF;
	_ =	strace $0x90000046  }
0xb3: {  	s29 =	simm.s32 $0x9;
	_ =	strace $0x80000048  }
0xb4: {  	_ =	swait.ge [sflag:s29], $0x1  }
0xb5: {  	[sflag:s29] =	ssyncadd.s32 $0xFFFFFFFF  }
0xb6: {  	_ =	strace $0x90000048  }
0xb7: {  	_ =	sfence  }
0xb8: {  	s30 =	sld [smem:$0x0];
	_ =	sdelay $0x2  }
0xb9: {  	s31 =	sshll.u32 s1, $0xD;
	s1 =	sshrl.u32 s1, $0x2  }
0xba: {  	s3 =	sand.u32 $0x4000, s31;
	s1 =	sadd.s32 s1, s30  }
0xbb: {  	s0 =	sor.u32 s3, s0;
	s1 =	sshll.u32 s1, $0x11  }
0xbc: {  	s0 =	sor.u32 s1, s0  }
0xbd: {  	s0 =	sadd.s32 $0x8F2B, s0  }
0xbe: {  	[sflag:s0] =	ssyncadd.remote.s32 $0x1  }
0xbf: {  	_ =	sfence.sel $0xFFFF  }
0xc0: {  	[dreg:$0x0] =	wrdreg $0xFFFFFFFF;
	(pc) =	sbr.abs _section_cstart, $3  }
0xc1: {  	[dreg:$0x1] =	wrdreg $0xFFFFFFFF  }
0xc2: {  	_ =	task.clear_ibuf [dreg:s7], $0x2FFFF;
	_ =	strace $0x9FFFFFFF  }
0xc3: {  	(tm) =	ssettm $0x7FFFFFFF  }
tec
execute0_lowered:
.L_overlay_start_1:
0x0: {  	(tag) =	ssettag $0x1  }
0x1: {  	s4 =	rddreg [dreg:$0x0]  }
0x2: {  	s6 =	rddreg [dreg:$0x1]  }
0x3: {  	s2 =	rddreg [dreg:$0x2]  }
0x4: {  	s0 =	srdreg.scid;
	s1 =	rddreg [dreg:$0x3];
	s3 =	simm.s32 $0x0  }
0x5: {  	s11 =	simm.s32 $0x1;
	s15 =	simm.s32 $0x20;
	s16 =	simm.s32 $0x10  }
0x6: {  	s17 =	simm.s32 $0x0;
	s5 =	sand.u32 $0x1, s0;
	s0 =	stileid.u32  }
0x7: {  	[smem:$0x7FF] =	sst s3;
	s7 =	sshll.u32 s5, $0x4;
	s9 =	smul.u32 $0xA00, s0  }
0x8: {  	_ =	strace $0x80000047;
	s5 =	ssub.s32 $0x2, s5;
	s13 =	smul.u32 $0xA0, s0  }
0x9: {  	s14 =	sshll.u32 s0, $0x6;
	s8 =	sor.u32 s0, s7;
	s31 =	sshrl.u32 s5, $0x1  }
0xa: {  	s12 =	sadd.s32 s6, s7;
	s7 =	simm.s32 $0x2880;
	s8 =	smul.u32 $0x500, s8  }
0xb: {  	s9 =	sshrl.u32 s9, $0x2;
	s10 =	ssub.s32 s5, s31;
	s12 =	sadd.s32 s13, s12  }
0xc: {  	s13 =	sor.u32 $0x1C02, s14;
	s6 =	smax.u32 s10, $0x1;
	s10 =	simm.s32 $0x2800  }
0xd: {  	s8 =	sadd.s32 s8, s4;
	s4 =	sadd.s32 s9, s2;
	s9 =	simm.s32 $0x80  }
0xe: {  	v0 =	vimm.f32 $1.000000000e+00;
	v1 =	vimm.f32 $0.0e+00;
	s5 =	sadd.s32 $0x1600, s8;
	s8 =	simm.s32 $0x2;
	s14 =	sshrl.u32 s4, $0x3  }
.LBB2_1:
0xf: {  	[tilespmem:$0x2800] =	vst v0  }
0x10: {  	[tilespmem:$0x2810] =	vst v0  }
0x11: {  	[tilespmem:$0x2820] =	vst v0  }
0x12: {  	[tilespmem:$0x2830] =	vst v0  }
0x13: {  	[tilespmem:$0x2840] =	vst v0  }
0x14: {  	[tilespmem:$0x2850] =	vst v0  }
0x15: {  	[tilespmem:$0x2860] =	vst v0  }
0x16: {  	[tilespmem:$0x2870] =	vst v0  }
0x17: {  	[tilespmem:$0x2880] =	vst v1  }
0x18: {  	[tilespmem:$0x2890] =	vst v1  }
0x19: {  	[tilespmem:$0x28A0] =	vst v1  }
0x1a: {  	[tilespmem:$0x28B0] =	vst v1  }
0x1b: {  	[tilespmem:$0x28C0] =	vst v1  }
0x1c: {  	[tilespmem:$0x28D0] =	vst v1  }
0x1d: {  	[tilespmem:$0x28E0] =	vst v1  }
0x1e: {  	[tilespmem:$0x28F0] =	vst v1  }
0x1f: {  	[tilespmem:$0x2900] =	vst v1  }
0x20: {  	[tilespmem:$0x2910] =	vst v1  }
0x21: {  	[tilespmem:$0x2920] =	vst v1  }
0x22: {  	[tilespmem:$0x2930] =	vst v1  }
0x23: {  	[tilespmem:$0x2940] =	vst v1  }
0x24: {  	[tilespmem:$0x2950] =	vst v1  }
0x25: {  	[tilespmem:$0x2960] =	vst v1  }
0x26: {  	[tilespmem:$0x2970] =	vst v1  }
0x27: {  	[tilespmem:$0x2980] =	vst v1  }
0x28: {  	[tilespmem:$0x2990] =	vst v1  }
0x29: {  	[tilespmem:$0x29A0] =	vst v1  }
0x2a: {  	[tilespmem:$0x29B0] =	vst v1  }
0x2b: {  	[tilespmem:$0x29C0] =	vst v1  }
0x2c: {  	[tilespmem:$0x29D0] =	vst v1  }
0x2d: {  	[tilespmem:$0x29E0] =	vst v1  }
0x2e: {  	[tilespmem:$0x29F0] =	vst v1  }
0x2f: {  	[tilespmem:$0x2A00] =	vst v1  }
0x30: {  	[tilespmem:$0x2A10] =	vst v1  }
0x31: {  	[tilespmem:$0x2A20] =	vst v1  }
0x32: {  	[tilespmem:$0x2A30] =	vst v1  }
0x33: {  	[tilespmem:$0x2A40] =	vst v1  }
0x34: {  	[tilespmem:$0x2A50] =	vst v1  }
0x35: {  	[tilespmem:$0x2A60] =	vst v1  }
0x36: {  	[tilespmem:$0x2A70] =	vst v1  }
0x37: {  	[tilespmem:$0x2A80] =	vst v1  }
0x38: {  	[tilespmem:$0x2A90] =	vst v1  }
0x39: {  	[tilespmem:$0x2AA0] =	vst v1  }
0x3a: {  	[tilespmem:$0x2AB0] =	vst v1  }
0x3b: {  	[tilespmem:$0x2AC0] =	vst v1  }
0x3c: {  	[tilespmem:$0x2AD0] =	vst v1  }
0x3d: {  	[tilespmem:$0x2AE0] =	vst v1  }
0x3e: {  	[tilespmem:$0x2AF0] =	vst v1  }
0x3f: {  	[spmem:s4] =	stream.linear.scatter [tilespmem:s7], [sflag:$0x2], $0x280, $0x38;
	[tilespmem:$0x2D80] =	vst v63  }
0x40: {  	_ =	swait.ge [sflag:s8], $0x280  }
0x41: {  	[sflag:s8] =	ssyncset.done $0x0  }
0x42: {  	[sflag:s8] =	ssyncadd.s32 $0xFFFFFD80  }
0x43: {  	[tilespmem:s3], [sflag:$0x2] =	stream.linear.gather [hbm4b:s5+s3], $0x2800, $0x38;
	[tilespmem:$0x2D80] =	vst v63  }
0x44: {  	_ =	swait.ge [sflag:s8], $0x2800  }
0x45: {  	[sflag:s8] =	ssyncset.done $0x0  }
0x46: {  	[sflag:s8] =	ssyncadd.s32 $0xFFFFD800  }
0x47: {  	s18 =	simm.s32 $0x0;
	[bflag:$0x0] =	sbarrier.arrive $0xFFFF  }
.LBB2_2:
0x48: {  	p0 =	sne.s32 s18, $0x9E00  }
.Ltmp0:
0x49: {  	_ = 	snop;
	(pc) =	sbr.rel @p0 .LBB2_2-.Ltmp0, $3  }
0x4a: {  	_ =	sdelay $0x1  }
0x4b: {  	s19 =	sshra.s32 s18, $0x2;
	s18 =	sadd.s32 $0x200, s18  }
0x4c: {  	[spmem:s2] =	stream.indirect.scatter.add.f32 [tilespmem:s10], [sflag:$0x1], $0x1, s19, s9, $0xb8;
	[tilespmem:$0x2D80] =	vst v63  }
0x4d: {  	_ =	swait.ge [sflag:s11], $0x80  }
0x4e: {  	s18 =	simm.s32 $0x4F;
	[sflag:s11] =	ssyncset.done $0x0  }
.LBB2_4:
0x4f: {  	p0 =	sne.s32 s18, $0x1;
	s18 =	sadd.s32 $0xFFFFFFFF, s18;
	[sflag:s11] =	ssyncadd.s32 $0xFFFFFF80  }
.Ltmp1:
0x50: {  	(pc) =	sbr.rel @p0 .LBB2_4-.Ltmp1, $3  }
0x51: {  	_ =	sdelay $0x1  }
0x52: {  	_ =	swait.ge [sflag:s11], $0x80  }
0x53: {  	[sflag:s11] =	ssyncset.done $0x0  }
0x54: {  	s17 =	sadd.s32 $0x1, s17  }
0x55: {  	[sflag:s11] =	ssyncadd.s32 $0xFFFFFF80;
	p0 =	sne.s32 s17, s6  }
.Ltmp2:
0x56: {  	[bflag:$0x0] =	sbarrier.arrive $0xFFFF;
	(pc) =	sbr.rel @p0 .LBB2_1-.Ltmp2, $4  }
0x57: {  	[hbm:s12@s15], [sflag:s13] =	dma.strided [spmem:s14@s16], $0x50, s11, $0x10   }
0x58: {  	_ =	swait.ge [sflag:s8], $0x50  }
0x59: {  	[sflag:s8] =	ssyncset.done $0x0  }
0x5a: {  	[sflag:s8] =	ssyncadd.s32 $0xFFFFFFB0  }
0x5b: {  	_ =	sfence.sel $0x180000  }
0x5c: {  	[bflag:$0x0] =	sbarrier.arrive $0xFFFF  }
0x5d: {  	p0 =	sne.s32 s0, $0x0;
	_ =	strace $0x90000047  }
0x5e: {  	s0 =	sadd.s32 @!p0 $0x100000, s1;
	[bflag:$0x2] =	sbarrier.arrive $0xFFFF  }
0x5f: {  	[sflag:s0] =	ssyncadd.tile.s32 @!p0 $0x1;
	_ =	shalt  }
.Lfunc_end2:
_tile_overlayer_lowered:
.L_overlay_start_2:
0x60: {  	(tag) =	ssettag $0x2  }
0x61: {  	s0 =	rddreg [dreg:$0x0];
	s2 =	stileid.u32  }
0x62: {  	s1 =	rddreg [dreg:$0x1];
	p0 =	sne.s32 s2, $0x0  }
0x63: {  	s3 =	rddreg [dreg:$0x2];
	[bflag:$0x3] =	sbarrier.arrive $0xFFFF;
	s2 =	simm.s32 @!p0 $0x1C02  }
0x64: {  	[timem:s3], [sflag:s2] =	dma.local @!p0 [hbm:s0], s1  }
0x65: {  	s0 =	simm.s32 @!p0 $0x2  }
0x66: {  	_ =	swait.ge @!p0 [sflag:s0], s1  }
0x67: {  	s1 =	ssub.s32 @!p0 $0x0, s1;
	[sflag:s0] =	ssyncset.done @!p0 $0x0  }
0x68: {  	[sflag:s0] =	ssyncadd.s32 @!p0 s1  }
0x69: {  	[bflag:$0x3] =	sbarrier.arrive $0xFFFF  }
0x6a: {  	_ =	shalt  }

</sc_bundles>
